<compile_context>
chip_gen: v7x
topology: tpu7x:2x2x1
jax: 0.10.2.dev20260603
libtpu: 0.0.44.dev20260713+nightly
codegen_flags: <defaults>
</compile_context>

<pallas_src>
import functools

import jax
import jax.numpy as jnp
from jax import lax
from jax.experimental import pallas as pl
from jax.experimental.pallas import tpu as pltpu
from jax.experimental.pallas import tpu_sc as plsc

VOCAB = 100000
EMBED_DIM = 128
HIDDEN_DIM = 256
NUM_LABELS = 1000
BAG_LEN = 16384

NUM_CORES = 2
NUM_SUBCORES = 16
NUM_WORKERS = NUM_CORES * NUM_SUBCORES
BPW = BAG_LEN // NUM_WORKERS
CHUNK = 128
NCHUNK = BPW // CHUNK
NBUF = 3
NLANE = EMBED_DIM // 16


UNROLL = 4


def _sc_gather_sum_body(idx_hbm, table_hbm, out_hbm,
                        idx_v, rows0, rows1, rows2, acc_v,
                        sem0, sem1, sem2):
    wid = lax.axis_index("s") * NUM_CORES + lax.axis_index("c")
    base = wid * BPW

    rows = (rows0, rows1, rows2)
    sems = (sem0, sem1, sem2)

    def fire(c):
        return pltpu.async_copy(
            table_hbm.at[idx_v.at[pl.ds(c * CHUNK, CHUNK)]],
            rows[c % NBUF], sems[c % NBUF])

    pltpu.sync_copy(idx_hbm.at[pl.ds(base, CHUNK)], idx_v.at[pl.ds(0, CHUNK)])
    cps = {0: fire(0)}
    pltpu.sync_copy(idx_hbm.at[pl.ds(base + CHUNK, BPW - CHUNK)],
                    idx_v.at[pl.ds(CHUNK, BPW - CHUNK)])
    for c in range(1, NBUF - 1):
        cps[c] = fire(c)

    acc = tuple(jnp.zeros((16,), jnp.float32) for _ in range(NLANE))
    for c in range(NCHUNK):
        nxt = c + NBUF - 1
        if nxt < NCHUNK:
            cps[nxt] = fire(nxt)
        cps[c].wait()
        r = rows[c % NBUF]

        def row_body(i, a, r=r):
            return tuple(a[j] + r[i, pl.ds(j * 16, 16)]
                         for j in range(NLANE))

        acc = lax.fori_loop(0, CHUNK, row_body, acc, unroll=UNROLL)

    for j in range(NLANE):
        acc_v[0, pl.ds(j * 16, 16)] = acc[j]
    pltpu.sync_copy(acc_v, out_hbm.at[pl.ds(wid, 1)])


_sc_gather_sum = functools.partial(
    pl.kernel,
    out_type=jax.ShapeDtypeStruct((NUM_WORKERS, EMBED_DIM), jnp.float32),
    mesh=plsc.VectorSubcoreMesh(core_axis_name="c", subcore_axis_name="s"),
    scratch_types=[
        pltpu.VMEM((BPW,), jnp.int32),
        pltpu.VMEM((CHUNK, EMBED_DIM), jnp.float32),
        pltpu.VMEM((CHUNK, EMBED_DIM), jnp.float32),
        pltpu.VMEM((CHUNK, EMBED_DIM), jnp.float32),
        pltpu.VMEM((1, EMBED_DIM), jnp.float32),
        pltpu.SemaphoreType.DMA,
        pltpu.SemaphoreType.DMA,
        pltpu.SemaphoreType.DMA,
    ],
)(_sc_gather_sum_body)


def _mlp_body(p_ref, wh_ref, bh_ref, wot_ref, bo_ref, o_ref):
    emb = jnp.sum(p_ref[...], axis=0, keepdims=True)
    h = jnp.dot(emb, wh_ref[...], preferred_element_type=jnp.float32)
    h = jnp.maximum(h + bh_ref[...], 0.0)
    o = lax.dot_general(h, wot_ref[...],
                        dimension_numbers=(((1,), (1,)), ((), ())),
                        preferred_element_type=jnp.float32)
    o_ref[...] = o + bo_ref[...]


_mlp = pl.pallas_call(
    _mlp_body,
    out_shape=jax.ShapeDtypeStruct((1, NUM_LABELS), jnp.float32),
)


@jax.jit
def kernel(X, table, W_hidden, b_hidden, W_out, b_out):
    idx = X.astype(jnp.int32)
    partials = _sc_gather_sum(idx, table)
    return _mlp(partials, W_hidden, b_hidden.reshape(1, HIDDEN_DIM),
                W_out.T, b_out.reshape(1, NUM_LABELS))

# --- scband reference (transcript-rebuilt; emitter-appended) ---
"""Pipeline reference for scband-classifier-85237920956925 (READ-ONLY COPY).

The authoritative reference and input builder live on the scoring server;
editing this copy changes nothing except your own understanding.
"""

import jax, jax.numpy as jnp
import numpy as np

VOCAB = 100000
EMBED_DIM = 128
HIDDEN_DIM = 256
NUM_LABELS = 1000
BAG_LEN = 16384

def setup_inputs(seed: int = 0) -> dict:
    key = jax.random.key(seed)
    k1, k2, k3, k4, k5, k6 = jax.random.split(key, 6)
    X = jax.random.randint(k1, (BAG_LEN,), 0, VOCAB, dtype=jnp.int64)
    table = jax.random.normal(k2, (VOCAB, EMBED_DIM), dtype=jnp.float32) * 0.02
    W_hidden = jax.random.normal(k3, (EMBED_DIM, HIDDEN_DIM), dtype=jnp.float32) * (1.0 / np.sqrt(EMBED_DIM))
    b_hidden = jax.random.normal(k4, (HIDDEN_DIM,), dtype=jnp.float32) * 0.01
    W_out = jax.random.normal(k5, (HIDDEN_DIM, NUM_LABELS), dtype=jnp.float32) * (1.0 / np.sqrt(HIDDEN_DIM))
    b_out = jax.random.normal(k6, (NUM_LABELS,), dtype=jnp.float32) * 0.01
    return {"X": X, "table": table, "W_hidden": W_hidden, "b_hidden": b_hidden, "W_out": W_out, "b_out": b_out}

def reference(X, table, W_hidden, b_hidden, W_out, b_out):
    # nn.EmbeddingBag(mode='sum') with offsets=[0]: gather all indices, sum into one bag -> [1, D]
    gathered = jnp.take(table, X, axis=0)  # [L, D]
    embedding = jnp.sum(gathered, axis=0, keepdims=True)  # [1, D]
    hidden = embedding @ W_hidden + b_hidden  # [1, H]
    # dropout(p=0.2) is identity at inference
    hidden = jax.nn.relu(hidden)
    output = hidden @ W_out + b_out  # [1, num_labels]
    return output

if __name__ == "__main__":
    import jax
    _d = setup_inputs()
    print(jax.jit(kernel)(*tuple(_d.values())))

</pallas_src>

<mosaic_0001>
#map = affine_map<(d0, d1) -> (0)>
#map1 = affine_map<(d0, d1) -> (0, 0)>
module attributes {stable_mosaic.version = 14 : i64} {
  func.func @_sc_gather_sum_body(%arg0: i32, %arg1: i32, %arg2: memref<16384xi32, #tpu.memory_space<hbm>>, %arg3: memref<100000x128xf32, #tpu.memory_space<hbm>>, %arg4: memref<32x128xf32, #tpu.memory_space<hbm>>, %arg5: memref<512xi32, #tpu.memory_space<vmem>>, %arg6: memref<128x128xf32, #tpu.memory_space<vmem>>, %arg7: memref<128x128xf32, #tpu.memory_space<vmem>>, %arg8: memref<128x128xf32, #tpu.memory_space<vmem>>, %arg9: memref<1x128xf32, #tpu.memory_space<vmem>>, %arg10: memref<!tpu.dma_semaphore, #tpu.memory_space<semaphore_mem>>, %arg11: memref<!tpu.dma_semaphore, #tpu.memory_space<semaphore_mem>>, %arg12: memref<!tpu.dma_semaphore, #tpu.memory_space<semaphore_mem>>) attributes {dimension_semantics = [#tpu.dimension_semantics<core_parallel>, #tpu.dimension_semantics<subcore_parallel>], iteration_bounds = array<i64: 2, 16>, scalar_prefetch = 0 : i64, scratch_operands = 8 : i64, tpu.core_type = #tpu.core_type<sc_vector_subcore>, window_params = [{transform_indices = #map}, {transform_indices = #map1}, {transform_indices = #map1}]} {
    %mul3A = arith.constant 2 : i32
    %mul3A_0 = arith.muli %arg1, %mul3A : i32
    %add3A = arith.addi %mul3A_0, %arg0 : i32
    %mul3A_1 = arith.constant 512 : i32
    %mul3A_2 = arith.muli %add3A, %mul3A_1 : i32
    "tpu.region"() ({
      %run_scoped3A = tpu.sem_alloc : memref<!tpu.dma_semaphore, #tpu.memory_space<semaphore_mem>>
      %dma_start3A_128 = arith.constant 0 : i32
      %dma_start3A_129 = tpu.memref_slice %arg5[%dma_start3A_128] : memref<512xi32, #tpu.memory_space<vmem>> -> memref<128xi32, #tpu.memory_space<vmem>>
      %dma_start3A_130 = tpu.memref_slice %arg2[%mul3A_2] : memref<16384xi32, #tpu.memory_space<hbm>> -> memref<128xi32, #tpu.memory_space<hbm>>
      %dma_start3A_131 = arith.constant 0 : i32
      %dma_start3A_132 = tpu.memref_slice %arg5[%dma_start3A_131] : memref<512xi32, #tpu.memory_space<vmem>> -> memref<128xi32, #tpu.memory_space<vmem>>
      %dma_start3A_133 = tpu.memref_slice %arg2[%mul3A_2] : memref<16384xi32, #tpu.memory_space<hbm>> -> memref<128xi32, #tpu.memory_space<hbm>>
      tpu.enqueue_dma source(%dma_start3A_133 : memref<128xi32, #tpu.memory_space<hbm>>) target(%dma_start3A_132 : memref<128xi32, #tpu.memory_space<vmem>>) target_semaphore(%run_scoped3A : memref<!tpu.dma_semaphore, #tpu.memory_space<semaphore_mem>>)
      %dma_wait3A_134 = arith.constant 0 : i32
      %dma_wait3A_135 = tpu.memref_slice %arg5[%dma_wait3A_134] : memref<512xi32, #tpu.memory_space<vmem>> -> memref<128xi32, #tpu.memory_space<vmem>>
      %dma_wait3A_136 = tpu.memref_slice %arg2[%mul3A_2] : memref<16384xi32, #tpu.memory_space<hbm>> -> memref<128xi32, #tpu.memory_space<hbm>>
      %dma_wait3A_137 = arith.constant 0 : i32
      %dma_wait3A_138 = tpu.memref_slice %arg5[%dma_wait3A_137] : memref<512xi32, #tpu.memory_space<vmem>> -> memref<128xi32, #tpu.memory_space<vmem>>
      %dma_wait3A_139 = tpu.memref_slice %arg2[%mul3A_2] : memref<16384xi32, #tpu.memory_space<hbm>> -> memref<128xi32, #tpu.memory_space<hbm>>
      tpu.wait_dma2 semaphore(%run_scoped3A : memref<!tpu.dma_semaphore, #tpu.memory_space<semaphore_mem>>) src(%dma_wait3A_139 : memref<128xi32, #tpu.memory_space<hbm>>) dst(%dma_wait3A_138 : memref<128xi32, #tpu.memory_space<vmem>>)
      tpu.yield
    }) : () -> ()
    %dma_start3A = arith.constant 0 : i32
    %dma_start3A_3 = tpu.memref_slice %arg5[%dma_start3A] : memref<512xi32, #tpu.memory_space<vmem>> -> memref<128xi32, #tpu.memory_space<vmem>>
    %dma_start3A_4 = arith.constant 0 : i32
    %dma_start3A_5 = arith.constant 0 : i32
    %dma_start3A_6 = tpu.memref_slice %arg3[%dma_start3A_4, %dma_start3A_5] : memref<100000x128xf32, #tpu.memory_space<hbm>> -> memref<100000x128xf32, #tpu.memory_space<hbm>>
    tpu.enqueue_indirect_dma source(%dma_start3A_6 : memref<100000x128xf32, #tpu.memory_space<hbm>>) target(%arg6 : memref<128x128xf32, #tpu.memory_space<vmem>>) offsets(%dma_start3A_3 : memref<128xi32, #tpu.memory_space<vmem>>) semaphore(%arg10 : memref<!tpu.dma_semaphore, #tpu.memory_space<semaphore_mem>>)
    %add3A_7 = arith.constant 128 : i32
    %add3A_8 = arith.addi %mul3A_2, %add3A_7 : i32
    "tpu.region"() ({
      %run_scoped3A = tpu.sem_alloc : memref<!tpu.dma_semaphore, #tpu.memory_space<semaphore_mem>>
      %dma_start3A_128 = arith.constant 128 : i32
      %dma_start3A_129 = tpu.memref_slice %arg5[%dma_start3A_128] : memref<512xi32, #tpu.memory_space<vmem>> -> memref<384xi32, #tpu.memory_space<vmem>>
      %dma_start3A_130 = tpu.memref_slice %arg2[%add3A_8] : memref<16384xi32, #tpu.memory_space<hbm>> -> memref<384xi32, #tpu.memory_space<hbm>>
      %dma_start3A_131 = arith.constant 128 : i32
      %dma_start3A_132 = tpu.memref_slice %arg5[%dma_start3A_131] : memref<512xi32, #tpu.memory_space<vmem>> -> memref<384xi32, #tpu.memory_space<vmem>>
      %dma_start3A_133 = tpu.memref_slice %arg2[%add3A_8] : memref<16384xi32, #tpu.memory_space<hbm>> -> memref<384xi32, #tpu.memory_space<hbm>>
      tpu.enqueue_dma source(%dma_start3A_133 : memref<384xi32, #tpu.memory_space<hbm>>) target(%dma_start3A_132 : memref<384xi32, #tpu.memory_space<vmem>>) target_semaphore(%run_scoped3A : memref<!tpu.dma_semaphore, #tpu.memory_space<semaphore_mem>>)
      %dma_wait3A_134 = arith.constant 128 : i32
      %dma_wait3A_135 = tpu.memref_slice %arg5[%dma_wait3A_134] : memref<512xi32, #tpu.memory_space<vmem>> -> memref<384xi32, #tpu.memory_space<vmem>>
      %dma_wait3A_136 = tpu.memref_slice %arg2[%add3A_8] : memref<16384xi32, #tpu.memory_space<hbm>> -> memref<384xi32, #tpu.memory_space<hbm>>
      %dma_wait3A_137 = arith.constant 128 : i32
      %dma_wait3A_138 = tpu.memref_slice %arg5[%dma_wait3A_137] : memref<512xi32, #tpu.memory_space<vmem>> -> memref<384xi32, #tpu.memory_space<vmem>>
      %dma_wait3A_139 = tpu.memref_slice %arg2[%add3A_8] : memref<16384xi32, #tpu.memory_space<hbm>> -> memref<384xi32, #tpu.memory_space<hbm>>
      tpu.wait_dma2 semaphore(%run_scoped3A : memref<!tpu.dma_semaphore, #tpu.memory_space<semaphore_mem>>) src(%dma_wait3A_139 : memref<384xi32, #tpu.memory_space<hbm>>) dst(%dma_wait3A_138 : memref<384xi32, #tpu.memory_space<vmem>>)
      tpu.yield
    }) : () -> ()
    %dma_start3A_9 = arith.constant 128 : i32
    %dma_start3A_10 = tpu.memref_slice %arg5[%dma_start3A_9] : memref<512xi32, #tpu.memory_space<vmem>> -> memref<128xi32, #tpu.memory_space<vmem>>
    %dma_start3A_11 = arith.constant 0 : i32
    %dma_start3A_12 = arith.constant 0 : i32
    %dma_start3A_13 = tpu.memref_slice %arg3[%dma_start3A_11, %dma_start3A_12] : memref<100000x128xf32, #tpu.memory_space<hbm>> -> memref<100000x128xf32, #tpu.memory_space<hbm>>
    tpu.enqueue_indirect_dma source(%dma_start3A_13 : memref<100000x128xf32, #tpu.memory_space<hbm>>) target(%arg7 : memref<128x128xf32, #tpu.memory_space<vmem>>) offsets(%dma_start3A_10 : memref<128xi32, #tpu.memory_space<vmem>>) semaphore(%arg11 : memref<!tpu.dma_semaphore, #tpu.memory_space<semaphore_mem>>)
    %broadcast_in_dim3A = arith.constant 0.000000e+00 : f32
    %broadcast_in_dim3A_14 = vector.broadcast %broadcast_in_dim3A : f32 to vector<16xf32>
    %broadcast_in_dim3A_15 = arith.constant 0.000000e+00 : f32
    %broadcast_in_dim3A_16 = vector.broadcast %broadcast_in_dim3A_15 : f32 to vector<16xf32>
    %broadcast_in_dim3A_17 = arith.constant 0.000000e+00 : f32
    %broadcast_in_dim3A_18 = vector.broadcast %broadcast_in_dim3A_17 : f32 to vector<16xf32>
    %broadcast_in_dim3A_19 = arith.constant 0.000000e+00 : f32
    %broadcast_in_dim3A_20 = vector.broadcast %broadcast_in_dim3A_19 : f32 to vector<16xf32>
    %broadcast_in_dim3A_21 = arith.constant 0.000000e+00 : f32
    %broadcast_in_dim3A_22 = vector.broadcast %broadcast_in_dim3A_21 : f32 to vector<16xf32>
    %broadcast_in_dim3A_23 = arith.constant 0.000000e+00 : f32
    %broadcast_in_dim3A_24 = vector.broadcast %broadcast_in_dim3A_23 : f32 to vector<16xf32>
    %broadcast_in_dim3A_25 = arith.constant 0.000000e+00 : f32
    %broadcast_in_dim3A_26 = vector.broadcast %broadcast_in_dim3A_25 : f32 to vector<16xf32>
    %broadcast_in_dim3A_27 = arith.constant 0.000000e+00 : f32
    %broadcast_in_dim3A_28 = vector.broadcast %broadcast_in_dim3A_27 : f32 to vector<16xf32>
    %dma_start3A_29 = arith.constant 256 : i32
    %dma_start3A_30 = tpu.memref_slice %arg5[%dma_start3A_29] : memref<512xi32, #tpu.memory_space<vmem>> -> memref<128xi32, #tpu.memory_space<vmem>>
    %dma_start3A_31 = arith.constant 0 : i32
    %dma_start3A_32 = arith.constant 0 : i32
    %dma_start3A_33 = tpu.memref_slice %arg3[%dma_start3A_31, %dma_start3A_32] : memref<100000x128xf32, #tpu.memory_space<hbm>> -> memref<100000x128xf32, #tpu.memory_space<hbm>>
    tpu.enqueue_indirect_dma source(%dma_start3A_33 : memref<100000x128xf32, #tpu.memory_space<hbm>>) target(%arg8 : memref<128x128xf32, #tpu.memory_space<vmem>>) offsets(%dma_start3A_30 : memref<128xi32, #tpu.memory_space<vmem>>) semaphore(%arg12 : memref<!tpu.dma_semaphore, #tpu.memory_space<semaphore_mem>>)
    %dma_wait3A = arith.constant 0 : i32
    %dma_wait3A_34 = tpu.memref_slice %arg5[%dma_wait3A] : memref<512xi32, #tpu.memory_space<vmem>> -> memref<128xi32, #tpu.memory_space<vmem>>
    %dma_wait3A_35 = arith.constant 0 : i32
    %dma_wait3A_36 = arith.constant 0 : i32
    %dma_wait3A_37 = tpu.memref_slice %arg3[%dma_wait3A_35, %dma_wait3A_36] : memref<100000x128xf32, #tpu.memory_space<hbm>> -> memref<100000x128xf32, #tpu.memory_space<hbm>>
    tpu.wait_indirect_dma semaphore(%arg10 : memref<!tpu.dma_semaphore, #tpu.memory_space<semaphore_mem>>) src(%dma_wait3A_37 : memref<100000x128xf32, #tpu.memory_space<hbm>>) dst(%arg6 : memref<128x128xf32, #tpu.memory_space<vmem>>)
    %scan3A = arith.constant 0 : i32
    %scan3A_38 = arith.constant 128 : i32
    %scan3A_39 = arith.addi %scan3A, %scan3A_38 : i32
    %scan3A_40 = arith.constant 4 : i32
    %scan3A_41:8 = scf.for %scan3A_128 = %scan3A to %scan3A_39 step %scan3A_40 iter_args(%scan3A_129 = %broadcast_in_dim3A_14, %scan3A_130 = %broadcast_in_dim3A_16, %scan3A_131 = %broadcast_in_dim3A_18, %scan3A_132 = %broadcast_in_dim3A_20, %scan3A_133 = %broadcast_in_dim3A_22, %scan3A_134 = %broadcast_in_dim3A_24, %scan3A_135 = %broadcast_in_dim3A_26, %scan3A_136 = %broadcast_in_dim3A_28) -> (vector<16xf32>, vector<16xf32>, vector<16xf32>, vector<16xf32>, vector<16xf32>, vector<16xf32>, vector<16xf32>, vector<16xf32>)  : i32 {
      %get3A = arith.index_cast %scan3A_128 : i32 to index
      %get3A_137 = arith.constant 0 : index
      %get3A_138 = tpu.vector_load %arg6[%get3A, %get3A_137] {strides = array<i32>} : memref<128x128xf32, #tpu.memory_space<vmem>>, vector<1x16xf32>,
      %get3A_139 = vector.shape_cast %get3A_138 : vector<1x16xf32> to vector<16xf32>
      %add3A_140 = arith.addf %scan3A_129, %get3A_139 : vector<16xf32>
      %get3A_141 = arith.index_cast %scan3A_128 : i32 to index
      %get3A_142 = arith.constant 16 : index
      %get3A_143 = tpu.vector_load %arg6[%get3A_141, %get3A_142] {strides = array<i32>} : memref<128x128xf32, #tpu.memory_space<vmem>>, vector<1x16xf32>,
      %get3A_144 = vector.shape_cast %get3A_143 : vector<1x16xf32> to vector<16xf32>
      %add3A_145 = arith.addf %scan3A_130, %get3A_144 : vector<16xf32>
      %get3A_146 = arith.index_cast %scan3A_128 : i32 to index
      %get3A_147 = arith.constant 32 : index
      %get3A_148 = tpu.vector_load %arg6[%get3A_146, %get3A_147] {strides = array<i32>} : memref<128x128xf32, #tpu.memory_space<vmem>>, vector<1x16xf32>,
      %get3A_149 = vector.shape_cast %get3A_148 : vector<1x16xf32> to vector<16xf32>
      %add3A_150 = arith.addf %scan3A_131, %get3A_149 : vector<16xf32>
      %get3A_151 = arith.index_cast %scan3A_128 : i32 to index
      %get3A_152 = arith.constant 48 : index
      %get3A_153 = tpu.vector_load %arg6[%get3A_151, %get3A_152] {strides = array<i32>} : memref<128x128xf32, #tpu.memory_space<vmem>>, vector<1x16xf32>,
      %get3A_154 = vector.shape_cast %get3A_153 : vector<1x16xf32> to vector<16xf32>
      %add3A_155 = arith.addf %scan3A_132, %get3A_154 : vector<16xf32>
      %get3A_156 = arith.index_cast %scan3A_128 : i32 to index
      %get3A_157 = arith.constant 64 : index
      %get3A_158 = tpu.vector_load %arg6[%get3A_156, %get3A_157] {strides = array<i32>} : memref<128x128xf32, #tpu.memory_space<vmem>>, vector<1x16xf32>,
      %get3A_159 = vector.shape_cast %get3A_158 : vector<1x16xf32> to vector<16xf32>
      %add3A_160 = arith.addf %scan3A_133, %get3A_159 : vector<16xf32>
      %get3A_161 = arith.index_cast %scan3A_128 : i32 to index
      %get3A_162 = arith.constant 80 : index
      %get3A_163 = tpu.vector_load %arg6[%get3A_161, %get3A_162] {strides = array<i32>} : memref<128x128xf32, #tpu.memory_space<vmem>>, vector<1x16xf32>,
      %get3A_164 = vector.shape_cast %get3A_163 : vector<1x16xf32> to vector<16xf32>
      %add3A_165 = arith.addf %scan3A_134, %get3A_164 : vector<16xf32>
      %get3A_166 = arith.index_cast %scan3A_128 : i32 to index
      %get3A_167 = arith.constant 96 : index
      %get3A_168 = tpu.vector_load %arg6[%get3A_166, %get3A_167] {strides = array<i32>} : memref<128x128xf32, #tpu.memory_space<vmem>>, vector<1x16xf32>,
      %get3A_169 = vector.shape_cast %get3A_168 : vector<1x16xf32> to vector<16xf32>
      %add3A_170 = arith.addf %scan3A_135, %get3A_169 : vector<16xf32>
      %get3A_171 = arith.index_cast %scan3A_128 : i32 to index
      %get3A_172 = arith.constant 112 : index
      %get3A_173 = tpu.vector_load %arg6[%get3A_171, %get3A_172] {strides = array<i32>} : memref<128x128xf32, #tpu.memory_space<vmem>>, vector<1x16xf32>,
      %get3A_174 = vector.shape_cast %get3A_173 : vector<1x16xf32> to vector<16xf32>
      %add3A_175 = arith.addf %scan3A_136, %get3A_174 : vector<16xf32>
      %scan3A_176 = arith.constant 1 : i32
      %scan3A_177 = arith.addi %scan3A_128, %scan3A_176 : i32
      %get3A_178 = arith.index_cast %scan3A_177 : i32 to index
      %get3A_179 = arith.constant 0 : index
      %get3A_180 = tpu.vector_load %arg6[%get3A_178, %get3A_179] {strides = array<i32>} : memref<128x128xf32, #tpu.memory_space<vmem>>, vector<1x16xf32>,
      %get3A_181 = vector.shape_cast %get3A_180 : vector<1x16xf32> to vector<16xf32>
      %add3A_182 = arith.addf %add3A_140, %get3A_181 : vector<16xf32>
      %get3A_183 = arith.index_cast %scan3A_177 : i32 to index
      %get3A_184 = arith.constant 16 : index
      %get3A_185 = tpu.vector_load %arg6[%get3A_183, %get3A_184] {strides = array<i32>} : memref<128x128xf32, #tpu.memory_space<vmem>>, vector<1x16xf32>,
      %get3A_186 = vector.shape_cast %get3A_185 : vector<1x16xf32> to vector<16xf32>
      %add3A_187 = arith.addf %add3A_145, %get3A_186 : vector<16xf32>
      %get3A_188 = arith.index_cast %scan3A_177 : i32 to index
      %get3A_189 = arith.constant 32 : index
      %get3A_190 = tpu.vector_load %arg6[%get3A_188, %get3A_189] {strides = array<i32>} : memref<128x128xf32, #tpu.memory_space<vmem>>, vector<1x16xf32>,
      %get3A_191 = vector.shape_cast %get3A_190 : vector<1x16xf32> to vector<16xf32>
      %add3A_192 = arith.addf %add3A_150, %get3A_191 : vector<16xf32>
      %get3A_193 = arith.index_cast %scan3A_177 : i32 to index
      %get3A_194 = arith.constant 48 : index
      %get3A_195 = tpu.vector_load %arg6[%get3A_193, %get3A_194] {strides = array<i32>} : memref<128x128xf32, #tpu.memory_space<vmem>>, vector<1x16xf32>,
      %get3A_196 = vector.shape_cast %get3A_195 : vector<1x16xf32> to vector<16xf32>
      %add3A_197 = arith.addf %add3A_155, %get3A_196 : vector<16xf32>
      %get3A_198 = arith.index_cast %scan3A_177 : i32 to index
      %get3A_199 = arith.constant 64 : index
      %get3A_200 = tpu.vector_load %arg6[%get3A_198, %get3A_199] {strides = array<i32>} : memref<128x128xf32, #tpu.memory_space<vmem>>, vector<1x16xf32>,
      %get3A_201 = vector.shape_cast %get3A_200 : vector<1x16xf32> to vector<16xf32>
      %add3A_202 = arith.addf %add3A_160, %get3A_201 : vector<16xf32>
      %get3A_203 = arith.index_cast %scan3A_177 : i32 to index
      %get3A_204 = arith.constant 80 : index
      %get3A_205 = tpu.vector_load %arg6[%get3A_203, %get3A_204] {strides = array<i32>} : memref<128x128xf32, #tpu.memory_space<vmem>>, vector<1x16xf32>,
      %get3A_206 = vector.shape_cast %get3A_205 : vector<1x16xf32> to vector<16xf32>
      %add3A_207 = arith.addf %add3A_165, %get3A_206 : vector<16xf32>
      %get3A_208 = arith.index_cast %scan3A_177 : i32 to index
      %get3A_209 = arith.constant 96 : index
      %get3A_210 = tpu.vector_load %arg6[%get3A_208, %get3A_209] {strides = array<i32>} : memref<128x128xf32, #tpu.memory_space<vmem>>, vector<1x16xf32>,
      %get3A_211 = vector.shape_cast %get3A_210 : vector<1x16xf32> to vector<16xf32>
      %add3A_212 = arith.addf %add3A_170, %get3A_211 : vector<16xf32>
      %get3A_213 = arith.index_cast %scan3A_177 : i32 to index
      %get3A_214 = arith.constant 112 : index
      %get3A_215 = tpu.vector_load %arg6[%get3A_213, %get3A_214] {strides = array<i32>} : memref<128x128xf32, #tpu.memory_space<vmem>>, vector<1x16xf32>,
      %get3A_216 = vector.shape_cast %get3A_215 : vector<1x16xf32> to vector<16xf32>
      %add3A_217 = arith.addf %add3A_175, %get3A_216 : vector<16xf32>
      %scan3A_218 = arith.constant 2 : i32
      %scan3A_219 = arith.addi %scan3A_128, %scan3A_218 : i32
      %get3A_220 = arith.index_cast %scan3A_219 : i32 to index
      %get3A_221 = arith.constant 0 : index
      %get3A_222 = tpu.vector_load %arg6[%get3A_220, %get3A_221] {strides = array<i32>} : memref<128x128xf32, #tpu.memory_space<vmem>>, vector<1x16xf32>,
      %get3A_223 = vector.shape_cast %get3A_222 : vector<1x16xf32> to vector<16xf32>
      %add3A_224 = arith.addf %add3A_182, %get3A_223 : vector<16xf32>
      %get3A_225 = arith.index_cast %scan3A_219 : i32 to index
      %get3A_226 = arith.constant 16 : index
      %get3A_227 = tpu.vector_load %arg6[%get3A_225, %get3A_226] {strides = array<i32>} : memref<128x128xf32, #tpu.memory_space<vmem>>, vector<1x16xf32>,
      %get3A_228 = vector.shape_cast %get3A_227 : vector<1x16xf32> to vector<16xf32>
      %add3A_229 = arith.addf %add3A_187, %get3A_228 : vector<16xf32>
      %get3A_230 = arith.index_cast %scan3A_219 : i32 to index
      %get3A_231 = arith.constant 32 : index
      %get3A_232 = tpu.vector_load %arg6[%get3A_230, %get3A_231] {strides = array<i32>} : memref<128x128xf32, #tpu.memory_space<vmem>>, vector<1x16xf32>,
      %get3A_233 = vector.shape_cast %get3A_232 : vector<1x16xf32> to vector<16xf32>
      %add3A_234 = arith.addf %add3A_192, %get3A_233 : vector<16xf32>
      %get3A_235 = arith.index_cast %scan3A_219 : i32 to index
      %get3A_236 = arith.constant 48 : index
      %get3A_237 = tpu.vector_load %arg6[%get3A_235, %get3A_236] {strides = array<i32>} : memref<128x128xf32, #tpu.memory_space<vmem>>, vector<1x16xf32>,
      %get3A_238 = vector.shape_cast %get3A_237 : vector<1x16xf32> to vector<16xf32>
      %add3A_239 = arith.addf %add3A_197, %get3A_238 : vector<16xf32>
      %get3A_240 = arith.index_cast %scan3A_219 : i32 to index
      %get3A_241 = arith.constant 64 : index
      %get3A_242 = tpu.vector_load %arg6[%get3A_240, %get3A_241] {strides = array<i32>} : memref<128x128xf32, #tpu.memory_space<vmem>>, vector<1x16xf32>,
      %get3A_243 = vector.shape_cast %get3A_242 : vector<1x16xf32> to vector<16xf32>
      %add3A_244 = arith.addf %add3A_202, %get3A_243 : vector<16xf32>
      %get3A_245 = arith.index_cast %scan3A_219 : i32 to index
      %get3A_246 = arith.constant 80 : index
      %get3A_247 = tpu.vector_load %arg6[%get3A_245, %get3A_246] {strides = array<i32>} : memref<128x128xf32, #tpu.memory_space<vmem>>, vector<1x16xf32>,
      %get3A_248 = vector.shape_cast %get3A_247 : vector<1x16xf32> to vector<16xf32>
      %add3A_249 = arith.addf %add3A_207, %get3A_248 : vector<16xf32>
      %get3A_250 = arith.index_cast %scan3A_219 : i32 to index
      %get3A_251 = arith.constant 96 : index
      %get3A_252 = tpu.vector_load %arg6[%get3A_250, %get3A_251] {strides = array<i32>} : memref<128x128xf32, #tpu.memory_space<vmem>>, vector<1x16xf32>,
      %get3A_253 = vector.shape_cast %get3A_252 : vector<1x16xf32> to vector<16xf32>
      %add3A_254 = arith.addf %add3A_212, %get3A_253 : vector<16xf32>
      %get3A_255 = arith.index_cast %scan3A_219 : i32 to index
      %get3A_256 = arith.constant 112 : index
      %get3A_257 = tpu.vector_load %arg6[%get3A_255, %get3A_256] {strides = array<i32>} : memref<128x128xf32, #tpu.memory_space<vmem>>, vector<1x16xf32>,
      %get3A_258 = vector.shape_cast %get3A_257 : vector<1x16xf32> to vector<16xf32>
      %add3A_259 = arith.addf %add3A_217, %get3A_258 : vector<16xf32>
      %scan3A_260 = arith.constant 3 : i32
      %scan3A_261 = arith.addi %scan3A_128, %scan3A_260 : i32
      %get3A_262 = arith.index_cast %scan3A_261 : i32 to index
      %get3A_263 = arith.constant 0 : index
      %get3A_264 = tpu.vector_load %arg6[%get3A_262, %get3A_263] {strides = array<i32>} : memref<128x128xf32, #tpu.memory_space<vmem>>, vector<1x16xf32>,
      %get3A_265 = vector.shape_cast %get3A_264 : vector<1x16xf32> to vector<16xf32>
      %add3A_266 = arith.addf %add3A_224, %get3A_265 : vector<16xf32>
      %get3A_267 = arith.index_cast %scan3A_261 : i32 to index
      %get3A_268 = arith.constant 16 : index
      %get3A_269 = tpu.vector_load %arg6[%get3A_267, %get3A_268] {strides = array<i32>} : memref<128x128xf32, #tpu.memory_space<vmem>>, vector<1x16xf32>,
      %get3A_270 = vector.shape_cast %get3A_269 : vector<1x16xf32> to vector<16xf32>
      %add3A_271 = arith.addf %add3A_229, %get3A_270 : vector<16xf32>
      %get3A_272 = arith.index_cast %scan3A_261 : i32 to index
      %get3A_273 = arith.constant 32 : index
      %get3A_274 = tpu.vector_load %arg6[%get3A_272, %get3A_273] {strides = array<i32>} : memref<128x128xf32, #tpu.memory_space<vmem>>, vector<1x16xf32>,
      %get3A_275 = vector.shape_cast %get3A_274 : vector<1x16xf32> to vector<16xf32>
      %add3A_276 = arith.addf %add3A_234, %get3A_275 : vector<16xf32>
      %get3A_277 = arith.index_cast %scan3A_261 : i32 to index
      %get3A_278 = arith.constant 48 : index
      %get3A_279 = tpu.vector_load %arg6[%get3A_277, %get3A_278] {strides = array<i32>} : memref<128x128xf32, #tpu.memory_space<vmem>>, vector<1x16xf32>,
      %get3A_280 = vector.shape_cast %get3A_279 : vector<1x16xf32> to vector<16xf32>
      %add3A_281 = arith.addf %add3A_239, %get3A_280 : vector<16xf32>
      %get3A_282 = arith.index_cast %scan3A_261 : i32 to index
      %get3A_283 = arith.constant 64 : index
      %get3A_284 = tpu.vector_load %arg6[%get3A_282, %get3A_283] {strides = array<i32>} : memref<128x128xf32, #tpu.memory_space<vmem>>, vector<1x16xf32>,
      %get3A_285 = vector.shape_cast %get3A_284 : vector<1x16xf32> to vector<16xf32>
      %add3A_286 = arith.addf %add3A_244, %get3A_285 : vector<16xf32>
      %get3A_287 = arith.index_cast %scan3A_261 : i32 to index
      %get3A_288 = arith.constant 80 : index
      %get3A_289 = tpu.vector_load %arg6[%get3A_287, %get3A_288] {strides = array<i32>} : memref<128x128xf32, #tpu.memory_space<vmem>>, vector<1x16xf32>,
      %get3A_290 = vector.shape_cast %get3A_289 : vector<1x16xf32> to vector<16xf32>
      %add3A_291 = arith.addf %add3A_249, %get3A_290 : vector<16xf32>
      %get3A_292 = arith.index_cast %scan3A_261 : i32 to index
      %get3A_293 = arith.constant 96 : index
      %get3A_294 = tpu.vector_load %arg6[%get3A_292, %get3A_293] {strides = array<i32>} : memref<128x128xf32, #tpu.memory_space<vmem>>, vector<1x16xf32>,
      %get3A_295 = vector.shape_cast %get3A_294 : vector<1x16xf32> to vector<16xf32>
      %add3A_296 = arith.addf %add3A_254, %get3A_295 : vector<16xf32>
      %get3A_297 = arith.index_cast %scan3A_261 : i32 to index
      %get3A_298 = arith.constant 112 : index
      %get3A_299 = tpu.vector_load %arg6[%get3A_297, %get3A_298] {strides = array<i32>} : memref<128x128xf32, #tpu.memory_space<vmem>>, vector<1x16xf32>,
      %get3A_300 = vector.shape_cast %get3A_299 : vector<1x16xf32> to vector<16xf32>
      %add3A_301 = arith.addf %add3A_259, %get3A_300 : vector<16xf32>
      scf.yield %add3A_266, %add3A_271, %add3A_276, %add3A_281, %add3A_286, %add3A_291, %add3A_296, %add3A_301 : vector<16xf32>, vector<16xf32>, vector<16xf32>, vector<16xf32>, vector<16xf32>, vector<16xf32>, vector<16xf32>, vector<16xf32>
    }
    %scan3A_42 = arith.constant 128 : i32
    %dma_start3A_43 = arith.constant 384 : i32
    %dma_start3A_44 = tpu.memref_slice %arg5[%dma_start3A_43] : memref<512xi32, #tpu.memory_space<vmem>> -> memref<128xi32, #tpu.memory_space<vmem>>
    %dma_start3A_45 = arith.constant 0 : i32
    %dma_start3A_46 = arith.constant 0 : i32
    %dma_start3A_47 = tpu.memref_slice %arg3[%dma_start3A_45, %dma_start3A_46] : memref<100000x128xf32, #tpu.memory_space<hbm>> -> memref<100000x128xf32, #tpu.memory_space<hbm>>
    tpu.enqueue_indirect_dma source(%dma_start3A_47 : memref<100000x128xf32, #tpu.memory_space<hbm>>) target(%arg6 : memref<128x128xf32, #tpu.memory_space<vmem>>) offsets(%dma_start3A_44 : memref<128xi32, #tpu.memory_space<vmem>>) semaphore(%arg10 : memref<!tpu.dma_semaphore, #tpu.memory_space<semaphore_mem>>)
    %dma_wait3A_48 = arith.constant 128 : i32
    %dma_wait3A_49 = tpu.memref_slice %arg5[%dma_wait3A_48] : memref<512xi32, #tpu.memory_space<vmem>> -> memref<128xi32, #tpu.memory_space<vmem>>
    %dma_wait3A_50 = arith.constant 0 : i32
    %dma_wait3A_51 = arith.constant 0 : i32
    %dma_wait3A_52 = tpu.memref_slice %arg3[%dma_wait3A_50, %dma_wait3A_51] : memref<100000x128xf32, #tpu.memory_space<hbm>> -> memref<100000x128xf32, #tpu.memory_space<hbm>>
    tpu.wait_indirect_dma semaphore(%arg11 : memref<!tpu.dma_semaphore, #tpu.memory_space<semaphore_mem>>) src(%dma_wait3A_52 : memref<100000x128xf32, #tpu.memory_space<hbm>>) dst(%arg7 : memref<128x128xf32, #tpu.memory_space<vmem>>)
    %scan3A_53 = arith.constant 0 : i32
    %scan3A_54 = arith.constant 128 : i32
    %scan3A_55 = arith.addi %scan3A_53, %scan3A_54 : i32
    %scan3A_56 = arith.constant 4 : i32
    %scan3A_57:8 = scf.for %scan3A_128 = %scan3A_53 to %scan3A_55 step %scan3A_56 iter_args(%scan3A_129 = %scan3A_41#0, %scan3A_130 = %scan3A_41#1, %scan3A_131 = %scan3A_41#2, %scan3A_132 = %scan3A_41#3, %scan3A_133 = %scan3A_41#4, %scan3A_134 = %scan3A_41#5, %scan3A_135 = %scan3A_41#6, %scan3A_136 = %scan3A_41#7) -> (vector<16xf32>, vector<16xf32>, vector<16xf32>, vector<16xf32>, vector<16xf32>, vector<16xf32>, vector<16xf32>, vector<16xf32>)  : i32 {
      %get3A = arith.index_cast %scan3A_128 : i32 to index
      %get3A_137 = arith.constant 0 : index
      %get3A_138 = tpu.vector_load %arg7[%get3A, %get3A_137] {strides = array<i32>} : memref<128x128xf32, #tpu.memory_space<vmem>>, vector<1x16xf32>,
      %get3A_139 = vector.shape_cast %get3A_138 : vector<1x16xf32> to vector<16xf32>
      %add3A_140 = arith.addf %scan3A_129, %get3A_139 : vector<16xf32>
      %get3A_141 = arith.index_cast %scan3A_128 : i32 to index
      %get3A_142 = arith.constant 16 : index
      %get3A_143 = tpu.vector_load %arg7[%get3A_141, %get3A_142] {strides = array<i32>} : memref<128x128xf32, #tpu.memory_space<vmem>>, vector<1x16xf32>,
      %get3A_144 = vector.shape_cast %get3A_143 : vector<1x16xf32> to vector<16xf32>
      %add3A_145 = arith.addf %scan3A_130, %get3A_144 : vector<16xf32>
      %get3A_146 = arith.index_cast %scan3A_128 : i32 to index
      %get3A_147 = arith.constant 32 : index
      %get3A_148 = tpu.vector_load %arg7[%get3A_146, %get3A_147] {strides = array<i32>} : memref<128x128xf32, #tpu.memory_space<vmem>>, vector<1x16xf32>,
      %get3A_149 = vector.shape_cast %get3A_148 : vector<1x16xf32> to vector<16xf32>
      %add3A_150 = arith.addf %scan3A_131, %get3A_149 : vector<16xf32>
      %get3A_151 = arith.index_cast %scan3A_128 : i32 to index
      %get3A_152 = arith.constant 48 : index
      %get3A_153 = tpu.vector_load %arg7[%get3A_151, %get3A_152] {strides = array<i32>} : memref<128x128xf32, #tpu.memory_space<vmem>>, vector<1x16xf32>,
      %get3A_154 = vector.shape_cast %get3A_153 : vector<1x16xf32> to vector<16xf32>
      %add3A_155 = arith.addf %scan3A_132, %get3A_154 : vector<16xf32>
      %get3A_156 = arith.index_cast %scan3A_128 : i32 to index
      %get3A_157 = arith.constant 64 : index
      %get3A_158 = tpu.vector_load %arg7[%get3A_156, %get3A_157] {strides = array<i32>} : memref<128x128xf32, #tpu.memory_space<vmem>>, vector<1x16xf32>,
      %get3A_159 = vector.shape_cast %get3A_158 : vector<1x16xf32> to vector<16xf32>
      %add3A_160 = arith.addf %scan3A_133, %get3A_159 : vector<16xf32>
      %get3A_161 = arith.index_cast %scan3A_128 : i32 to index
      %get3A_162 = arith.constant 80 : index
      %get3A_163 = tpu.vector_load %arg7[%get3A_161, %get3A_162] {strides = array<i32>} : memref<128x128xf32, #tpu.memory_space<vmem>>, vector<1x16xf32>,
      %get3A_164 = vector.shape_cast %get3A_163 : vector<1x16xf32> to vector<16xf32>
      %add3A_165 = arith.addf %scan3A_134, %get3A_164 : vector<16xf32>
      %get3A_166 = arith.index_cast %scan3A_128 : i32 to index
      %get3A_167 = arith.constant 96 : index
      %get3A_168 = tpu.vector_load %arg7[%get3A_166, %get3A_167] {strides = array<i32>} : memref<128x128xf32, #tpu.memory_space<vmem>>, vector<1x16xf32>,
      %get3A_169 = vector.shape_cast %get3A_168 : vector<1x16xf32> to vector<16xf32>
      %add3A_170 = arith.addf %scan3A_135, %get3A_169 : vector<16xf32>
      %get3A_171 = arith.index_cast %scan3A_128 : i32 to index
      %get3A_172 = arith.constant 112 : index
      %get3A_173 = tpu.vector_load %arg7[%get3A_171, %get3A_172] {strides = array<i32>} : memref<128x128xf32, #tpu.memory_space<vmem>>, vector<1x16xf32>,
      %get3A_174 = vector.shape_cast %get3A_173 : vector<1x16xf32> to vector<16xf32>
      %add3A_175 = arith.addf %scan3A_136, %get3A_174 : vector<16xf32>
      %scan3A_176 = arith.constant 1 : i32
      %scan3A_177 = arith.addi %scan3A_128, %scan3A_176 : i32
      %get3A_178 = arith.index_cast %scan3A_177 : i32 to index
      %get3A_179 = arith.constant 0 : index
      %get3A_180 = tpu.vector_load %arg7[%get3A_178, %get3A_179] {strides = array<i32>} : memref<128x128xf32, #tpu.memory_space<vmem>>, vector<1x16xf32>,
      %get3A_181 = vector.shape_cast %get3A_180 : vector<1x16xf32> to vector<16xf32>
      %add3A_182 = arith.addf %add3A_140, %get3A_181 : vector<16xf32>
      %get3A_183 = arith.index_cast %scan3A_177 : i32 to index
      %get3A_184 = arith.constant 16 : index
      %get3A_185 = tpu.vector_load %arg7[%get3A_183, %get3A_184] {strides = array<i32>} : memref<128x128xf32, #tpu.memory_space<vmem>>, vector<1x16xf32>,
      %get3A_186 = vector.shape_cast %get3A_185 : vector<1x16xf32> to vector<16xf32>
      %add3A_187 = arith.addf %add3A_145, %get3A_186 : vector<16xf32>
      %get3A_188 = arith.index_cast %scan3A_177 : i32 to index
      %get3A_189 = arith.constant 32 : index
      %get3A_190 = tpu.vector_load %arg7[%get3A_188, %get3A_189] {strides = array<i32>} : memref<128x128xf32, #tpu.memory_space<vmem>>, vector<1x16xf32>,
      %get3A_191 = vector.shape_cast %get3A_190 : vector<1x16xf32> to vector<16xf32>
      %add3A_192 = arith.addf %add3A_150, %get3A_191 : vector<16xf32>
      %get3A_193 = arith.index_cast %scan3A_177 : i32 to index
      %get3A_194 = arith.constant 48 : index
      %get3A_195 = tpu.vector_load %arg7[%get3A_193, %get3A_194] {strides = array<i32>} : memref<128x128xf32, #tpu.memory_space<vmem>>, vector<1x16xf32>,
      %get3A_196 = vector.shape_cast %get3A_195 : vector<1x16xf32> to vector<16xf32>
      %add3A_197 = arith.addf %add3A_155, %get3A_196 : vector<16xf32>
      %get3A_198 = arith.index_cast %scan3A_177 : i32 to index
      %get3A_199 = arith.constant 64 : index
      %get3A_200 = tpu.vector_load %arg7[%get3A_198, %get3A_199] {strides = array<i32>} : memref<128x128xf32, #tpu.memory_space<vmem>>, vector<1x16xf32>,
      %get3A_201 = vector.shape_cast %get3A_200 : vector<1x16xf32> to vector<16xf32>
      %add3A_202 = arith.addf %add3A_160, %get3A_201 : vector<16xf32>
      %get3A_203 = arith.index_cast %scan3A_177 : i32 to index
      %get3A_204 = arith.constant 80 : index
      %get3A_205 = tpu.vector_load %arg7[%get3A_203, %get3A_204] {strides = array<i32>} : memref<128x128xf32, #tpu.memory_space<vmem>>, vector<1x16xf32>,
      %get3A_206 = vector.shape_cast %get3A_205 : vector<1x16xf32> to vector<16xf32>
      %add3A_207 = arith.addf %add3A_165, %get3A_206 : vector<16xf32>
      %get3A_208 = arith.index_cast %scan3A_177 : i32 to index
      %get3A_209 = arith.constant 96 : index
      %get3A_210 = tpu.vector_load %arg7[%get3A_208, %get3A_209] {strides = array<i32>} : memref<128x128xf32, #tpu.memory_space<vmem>>, vector<1x16xf32>,
      %get3A_211 = vector.shape_cast %get3A_210 : vector<1x16xf32> to vector<16xf32>
      %add3A_212 = arith.addf %add3A_170, %get3A_211 : vector<16xf32>
      %get3A_213 = arith.index_cast %scan3A_177 : i32 to index
      %get3A_214 = arith.constant 112 : index
      %get3A_215 = tpu.vector_load %arg7[%get3A_213, %get3A_214] {strides = array<i32>} : memref<128x128xf32, #tpu.memory_space<vmem>>, vector<1x16xf32>,
      %get3A_216 = vector.shape_cast %get3A_215 : vector<1x16xf32> to vector<16xf32>
      %add3A_217 = arith.addf %add3A_175, %get3A_216 : vector<16xf32>
      %scan3A_218 = arith.constant 2 : i32
      %scan3A_219 = arith.addi %scan3A_128, %scan3A_218 : i32
      %get3A_220 = arith.index_cast %scan3A_219 : i32 to index
      %get3A_221 = arith.constant 0 : index
      %get3A_222 = tpu.vector_load %arg7[%get3A_220, %get3A_221] {strides = array<i32>} : memref<128x128xf32, #tpu.memory_space<vmem>>, vector<1x16xf32>,
      %get3A_223 = vector.shape_cast %get3A_222 : vector<1x16xf32> to vector<16xf32>
      %add3A_224 = arith.addf %add3A_182, %get3A_223 : vector<16xf32>
      %get3A_225 = arith.index_cast %scan3A_219 : i32 to index
      %get3A_226 = arith.constant 16 : index
      %get3A_227 = tpu.vector_load %arg7[%get3A_225, %get3A_226] {strides = array<i32>} : memref<128x128xf32, #tpu.memory_space<vmem>>, vector<1x16xf32>,
      %get3A_228 = vector.shape_cast %get3A_227 : vector<1x16xf32> to vector<16xf32>
      %add3A_229 = arith.addf %add3A_187, %get3A_228 : vector<16xf32>
      %get3A_230 = arith.index_cast %scan3A_219 : i32 to index
      %get3A_231 = arith.constant 32 : index
      %get3A_232 = tpu.vector_load %arg7[%get3A_230, %get3A_231] {strides = array<i32>} : memref<128x128xf32, #tpu.memory_space<vmem>>, vector<1x16xf32>,
      %get3A_233 = vector.shape_cast %get3A_232 : vector<1x16xf32> to vector<16xf32>
      %add3A_234 = arith.addf %add3A_192, %get3A_233 : vector<16xf32>
      %get3A_235 = arith.index_cast %scan3A_219 : i32 to index
      %get3A_236 = arith.constant 48 : index
      %get3A_237 = tpu.vector_load %arg7[%get3A_235, %get3A_236] {strides = array<i32>} : memref<128x128xf32, #tpu.memory_space<vmem>>, vector<1x16xf32>,
      %get3A_238 = vector.shape_cast %get3A_237 : vector<1x16xf32> to vector<16xf32>
      %add3A_239 = arith.addf %add3A_197, %get3A_238 : vector<16xf32>
      %get3A_240 = arith.index_cast %scan3A_219 : i32 to index
      %get3A_241 = arith.constant 64 : index
      %get3A_242 = tpu.vector_load %arg7[%get3A_240, %get3A_241] {strides = array<i32>} : memref<128x128xf32, #tpu.memory_space<vmem>>, vector<1x16xf32>,
      %get3A_243 = vector.shape_cast %get3A_242 : vector<1x16xf32> to vector<16xf32>
      %add3A_244 = arith.addf %add3A_202, %get3A_243 : vector<16xf32>
      %get3A_245 = arith.index_cast %scan3A_219 : i32 to index
      %get3A_246 = arith.constant 80 : index
      %get3A_247 = tpu.vector_load %arg7[%get3A_245, %get3A_246] {strides = array<i32>} : memref<128x128xf32, #tpu.memory_space<vmem>>, vector<1x16xf32>,
      %get3A_248 = vector.shape_cast %get3A_247 : vector<1x16xf32> to vector<16xf32>
      %add3A_249 = arith.addf %add3A_207, %get3A_248 : vector<16xf32>
      %get3A_250 = arith.index_cast %scan3A_219 : i32 to index
      %get3A_251 = arith.constant 96 : index
      %get3A_252 = tpu.vector_load %arg7[%get3A_250, %get3A_251] {strides = array<i32>} : memref<128x128xf32, #tpu.memory_space<vmem>>, vector<1x16xf32>,
      %get3A_253 = vector.shape_cast %get3A_252 : vector<1x16xf32> to vector<16xf32>
      %add3A_254 = arith.addf %add3A_212, %get3A_253 : vector<16xf32>
      %get3A_255 = arith.index_cast %scan3A_219 : i32 to index
      %get3A_256 = arith.constant 112 : index
      %get3A_257 = tpu.vector_load %arg7[%get3A_255, %get3A_256] {strides = array<i32>} : memref<128x128xf32, #tpu.memory_space<vmem>>, vector<1x16xf32>,
      %get3A_258 = vector.shape_cast %get3A_257 : vector<1x16xf32> to vector<16xf32>
      %add3A_259 = arith.addf %add3A_217, %get3A_258 : vector<16xf32>
      %scan3A_260 = arith.constant 3 : i32
      %scan3A_261 = arith.addi %scan3A_128, %scan3A_260 : i32
      %get3A_262 = arith.index_cast %scan3A_261 : i32 to index
      %get3A_263 = arith.constant 0 : index
      %get3A_264 = tpu.vector_load %arg7[%get3A_262, %get3A_263] {strides = array<i32>} : memref<128x128xf32, #tpu.memory_space<vmem>>, vector<1x16xf32>,
      %get3A_265 = vector.shape_cast %get3A_264 : vector<1x16xf32> to vector<16xf32>
      %add3A_266 = arith.addf %add3A_224, %get3A_265 : vector<16xf32>
      %get3A_267 = arith.index_cast %scan3A_261 : i32 to index
      %get3A_268 = arith.constant 16 : index
      %get3A_269 = tpu.vector_load %arg7[%get3A_267, %get3A_268] {strides = array<i32>} : memref<128x128xf32, #tpu.memory_space<vmem>>, vector<1x16xf32>,
      %get3A_270 = vector.shape_cast %get3A_269 : vector<1x16xf32> to vector<16xf32>
      %add3A_271 = arith.addf %add3A_229, %get3A_270 : vector<16xf32>
      %get3A_272 = arith.index_cast %scan3A_261 : i32 to index
      %get3A_273 = arith.constant 32 : index
      %get3A_274 = tpu.vector_load %arg7[%get3A_272, %get3A_273] {strides = array<i32>} : memref<128x128xf32, #tpu.memory_space<vmem>>, vector<1x16xf32>,
      %get3A_275 = vector.shape_cast %get3A_274 : vector<1x16xf32> to vector<16xf32>
      %add3A_276 = arith.addf %add3A_234, %get3A_275 : vector<16xf32>
      %get3A_277 = arith.index_cast %scan3A_261 : i32 to index
      %get3A_278 = arith.constant 48 : index
      %get3A_279 = tpu.vector_load %arg7[%get3A_277, %get3A_278] {strides = array<i32>} : memref<128x128xf32, #tpu.memory_space<vmem>>, vector<1x16xf32>,
      %get3A_280 = vector.shape_cast %get3A_279 : vector<1x16xf32> to vector<16xf32>
      %add3A_281 = arith.addf %add3A_239, %get3A_280 : vector<16xf32>
      %get3A_282 = arith.index_cast %scan3A_261 : i32 to index
      %get3A_283 = arith.constant 64 : index
      %get3A_284 = tpu.vector_load %arg7[%get3A_282, %get3A_283] {strides = array<i32>} : memref<128x128xf32, #tpu.memory_space<vmem>>, vector<1x16xf32>,
      %get3A_285 = vector.shape_cast %get3A_284 : vector<1x16xf32> to vector<16xf32>
      %add3A_286 = arith.addf %add3A_244, %get3A_285 : vector<16xf32>
      %get3A_287 = arith.index_cast %scan3A_261 : i32 to index
      %get3A_288 = arith.constant 80 : index
      %get3A_289 = tpu.vector_load %arg7[%get3A_287, %get3A_288] {strides = array<i32>} : memref<128x128xf32, #tpu.memory_space<vmem>>, vector<1x16xf32>,
      %get3A_290 = vector.shape_cast %get3A_289 : vector<1x16xf32> to vector<16xf32>
      %add3A_291 = arith.addf %add3A_249, %get3A_290 : vector<16xf32>
      %get3A_292 = arith.index_cast %scan3A_261 : i32 to index
      %get3A_293 = arith.constant 96 : index
      %get3A_294 = tpu.vector_load %arg7[%get3A_292, %get3A_293] {strides = array<i32>} : memref<128x128xf32, #tpu.memory_space<vmem>>, vector<1x16xf32>,
      %get3A_295 = vector.shape_cast %get3A_294 : vector<1x16xf32> to vector<16xf32>
      %add3A_296 = arith.addf %add3A_254, %get3A_295 : vector<16xf32>
      %get3A_297 = arith.index_cast %scan3A_261 : i32 to index
      %get3A_298 = arith.constant 112 : index
      %get3A_299 = tpu.vector_load %arg7[%get3A_297, %get3A_298] {strides = array<i32>} : memref<128x128xf32, #tpu.memory_space<vmem>>, vector<1x16xf32>,
      %get3A_300 = vector.shape_cast %get3A_299 : vector<1x16xf32> to vector<16xf32>
      %add3A_301 = arith.addf %add3A_259, %get3A_300 : vector<16xf32>
      scf.yield %add3A_266, %add3A_271, %add3A_276, %add3A_281, %add3A_286, %add3A_291, %add3A_296, %add3A_301 : vector<16xf32>, vector<16xf32>, vector<16xf32>, vector<16xf32>, vector<16xf32>, vector<16xf32>, vector<16xf32>, vector<16xf32>
    }
    %scan3A_58 = arith.constant 128 : i32
    %dma_wait3A_59 = arith.constant 256 : i32
    %dma_wait3A_60 = tpu.memref_slice %arg5[%dma_wait3A_59] : memref<512xi32, #tpu.memory_space<vmem>> -> memref<128xi32, #tpu.memory_space<vmem>>
    %dma_wait3A_61 = arith.constant 0 : i32
    %dma_wait3A_62 = arith.constant 0 : i32
    %dma_wait3A_63 = tpu.memref_slice %arg3[%dma_wait3A_61, %dma_wait3A_62] : memref<100000x128xf32, #tpu.memory_space<hbm>> -> memref<100000x128xf32, #tpu.memory_space<hbm>>
    tpu.wait_indirect_dma semaphore(%arg12 : memref<!tpu.dma_semaphore, #tpu.memory_space<semaphore_mem>>) src(%dma_wait3A_63 : memref<100000x128xf32, #tpu.memory_space<hbm>>) dst(%arg8 : memref<128x128xf32, #tpu.memory_space<vmem>>)
    %scan3A_64 = arith.constant 0 : i32
    %scan3A_65 = arith.constant 128 : i32
    %scan3A_66 = arith.addi %scan3A_64, %scan3A_65 : i32
    %scan3A_67 = arith.constant 4 : i32
    %scan3A_68:8 = scf.for %scan3A_128 = %scan3A_64 to %scan3A_66 step %scan3A_67 iter_args(%scan3A_129 = %scan3A_57#0, %scan3A_130 = %scan3A_57#1, %scan3A_131 = %scan3A_57#2, %scan3A_132 = %scan3A_57#3, %scan3A_133 = %scan3A_57#4, %scan3A_134 = %scan3A_57#5, %scan3A_135 = %scan3A_57#6, %scan3A_136 = %scan3A_57#7) -> (vector<16xf32>, vector<16xf32>, vector<16xf32>, vector<16xf32>, vector<16xf32>, vector<16xf32>, vector<16xf32>, vector<16xf32>)  : i32 {
      %get3A = arith.index_cast %scan3A_128 : i32 to index
      %get3A_137 = arith.constant 0 : index
      %get3A_138 = tpu.vector_load %arg8[%get3A, %get3A_137] {strides = array<i32>} : memref<128x128xf32, #tpu.memory_space<vmem>>, vector<1x16xf32>,
      %get3A_139 = vector.shape_cast %get3A_138 : vector<1x16xf32> to vector<16xf32>
      %add3A_140 = arith.addf %scan3A_129, %get3A_139 : vector<16xf32>
      %get3A_141 = arith.index_cast %scan3A_128 : i32 to index
      %get3A_142 = arith.constant 16 : index
      %get3A_143 = tpu.vector_load %arg8[%get3A_141, %get3A_142] {strides = array<i32>} : memref<128x128xf32, #tpu.memory_space<vmem>>, vector<1x16xf32>,
      %get3A_144 = vector.shape_cast %get3A_143 : vector<1x16xf32> to vector<16xf32>
      %add3A_145 = arith.addf %scan3A_130, %get3A_144 : vector<16xf32>
      %get3A_146 = arith.index_cast %scan3A_128 : i32 to index
      %get3A_147 = arith.constant 32 : index
      %get3A_148 = tpu.vector_load %arg8[%get3A_146, %get3A_147] {strides = array<i32>} : memref<128x128xf32, #tpu.memory_space<vmem>>, vector<1x16xf32>,
      %get3A_149 = vector.shape_cast %get3A_148 : vector<1x16xf32> to vector<16xf32>
      %add3A_150 = arith.addf %scan3A_131, %get3A_149 : vector<16xf32>
      %get3A_151 = arith.index_cast %scan3A_128 : i32 to index
      %get3A_152 = arith.constant 48 : index
      %get3A_153 = tpu.vector_load %arg8[%get3A_151, %get3A_152] {strides = array<i32>} : memref<128x128xf32, #tpu.memory_space<vmem>>, vector<1x16xf32>,
      %get3A_154 = vector.shape_cast %get3A_153 : vector<1x16xf32> to vector<16xf32>
      %add3A_155 = arith.addf %scan3A_132, %get3A_154 : vector<16xf32>
      %get3A_156 = arith.index_cast %scan3A_128 : i32 to index
      %get3A_157 = arith.constant 64 : index
      %get3A_158 = tpu.vector_load %arg8[%get3A_156, %get3A_157] {strides = array<i32>} : memref<128x128xf32, #tpu.memory_space<vmem>>, vector<1x16xf32>,
      %get3A_159 = vector.shape_cast %get3A_158 : vector<1x16xf32> to vector<16xf32>
      %add3A_160 = arith.addf %scan3A_133, %get3A_159 : vector<16xf32>
      %get3A_161 = arith.index_cast %scan3A_128 : i32 to index
      %get3A_162 = arith.constant 80 : index
      %get3A_163 = tpu.vector_load %arg8[%get3A_161, %get3A_162] {strides = array<i32>} : memref<128x128xf32, #tpu.memory_space<vmem>>, vector<1x16xf32>,
      %get3A_164 = vector.shape_cast %get3A_163 : vector<1x16xf32> to vector<16xf32>
      %add3A_165 = arith.addf %scan3A_134, %get3A_164 : vector<16xf32>
      %get3A_166 = arith.index_cast %scan3A_128 : i32 to index
      %get3A_167 = arith.constant 96 : index
      %get3A_168 = tpu.vector_load %arg8[%get3A_166, %get3A_167] {strides = array<i32>} : memref<128x128xf32, #tpu.memory_space<vmem>>, vector<1x16xf32>,
      %get3A_169 = vector.shape_cast %get3A_168 : vector<1x16xf32> to vector<16xf32>
      %add3A_170 = arith.addf %scan3A_135, %get3A_169 : vector<16xf32>
      %get3A_171 = arith.index_cast %scan3A_128 : i32 to index
      %get3A_172 = arith.constant 112 : index
      %get3A_173 = tpu.vector_load %arg8[%get3A_171, %get3A_172] {strides = array<i32>} : memref<128x128xf32, #tpu.memory_space<vmem>>, vector<1x16xf32>,
      %get3A_174 = vector.shape_cast %get3A_173 : vector<1x16xf32> to vector<16xf32>
      %add3A_175 = arith.addf %scan3A_136, %get3A_174 : vector<16xf32>
      %scan3A_176 = arith.constant 1 : i32
      %scan3A_177 = arith.addi %scan3A_128, %scan3A_176 : i32
      %get3A_178 = arith.index_cast %scan3A_177 : i32 to index
      %get3A_179 = arith.constant 0 : index
      %get3A_180 = tpu.vector_load %arg8[%get3A_178, %get3A_179] {strides = array<i32>} : memref<128x128xf32, #tpu.memory_space<vmem>>, vector<1x16xf32>,
      %get3A_181 = vector.shape_cast %get3A_180 : vector<1x16xf32> to vector<16xf32>
      %add3A_182 = arith.addf %add3A_140, %get3A_181 : vector<16xf32>
      %get3A_183 = arith.index_cast %scan3A_177 : i32 to index
      %get3A_184 = arith.constant 16 : index
      %get3A_185 = tpu.vector_load %arg8[%get3A_183, %get3A_184] {strides = array<i32>} : memref<128x128xf32, #tpu.memory_space<vmem>>, vector<1x16xf32>,
      %get3A_186 = vector.shape_cast %get3A_185 : vector<1x16xf32> to vector<16xf32>
      %add3A_187 = arith.addf %add3A_145, %get3A_186 : vector<16xf32>
      %get3A_188 = arith.index_cast %scan3A_177 : i32 to index
      %get3A_189 = arith.constant 32 : index
      %get3A_190 = tpu.vector_load %arg8[%get3A_188, %get3A_189] {strides = array<i32>} : memref<128x128xf32, #tpu.memory_space<vmem>>, vector<1x16xf32>,
      %get3A_191 = vector.shape_cast %get3A_190 : vector<1x16xf32> to vector<16xf32>
      %add3A_192 = arith.addf %add3A_150, %get3A_191 : vector<16xf32>
      %get3A_193 = arith.index_cast %scan3A_177 : i32 to index
      %get3A_194 = arith.constant 48 : index
      %get3A_195 = tpu.vector_load %arg8[%get3A_193, %get3A_194] {strides = array<i32>} : memref<128x128xf32, #tpu.memory_space<vmem>>, vector<1x16xf32>,
      %get3A_196 = vector.shape_cast %get3A_195 : vector<1x16xf32> to vector<16xf32>
      %add3A_197 = arith.addf %add3A_155, %get3A_196 : vector<16xf32>
      %get3A_198 = arith.index_cast %scan3A_177 : i32 to index
      %get3A_199 = arith.constant 64 : index
      %get3A_200 = tpu.vector_load %arg8[%get3A_198, %get3A_199] {strides = array<i32>} : memref<128x128xf32, #tpu.memory_space<vmem>>, vector<1x16xf32>,
      %get3A_201 = vector.shape_cast %get3A_200 : vector<1x16xf32> to vector<16xf32>
      %add3A_202 = arith.addf %add3A_160, %get3A_201 : vector<16xf32>
      %get3A_203 = arith.index_cast %scan3A_177 : i32 to index
      %get3A_204 = arith.constant 80 : index
      %get3A_205 = tpu.vector_load %arg8[%get3A_203, %get3A_204] {strides = array<i32>} : memref<128x128xf32, #tpu.memory_space<vmem>>, vector<1x16xf32>,
      %get3A_206 = vector.shape_cast %get3A_205 : vector<1x16xf32> to vector<16xf32>
      %add3A_207 = arith.addf %add3A_165, %get3A_206 : vector<16xf32>
      %get3A_208 = arith.index_cast %scan3A_177 : i32 to index
      %get3A_209 = arith.constant 96 : index
      %get3A_210 = tpu.vector_load %arg8[%get3A_208, %get3A_209] {strides = array<i32>} : memref<128x128xf32, #tpu.memory_space<vmem>>, vector<1x16xf32>,
      %get3A_211 = vector.shape_cast %get3A_210 : vector<1x16xf32> to vector<16xf32>
      %add3A_212 = arith.addf %add3A_170, %get3A_211 : vector<16xf32>
      %get3A_213 = arith.index_cast %scan3A_177 : i32 to index
      %get3A_214 = arith.constant 112 : index
      %get3A_215 = tpu.vector_load %arg8[%get3A_213, %get3A_214] {strides = array<i32>} : memref<128x128xf32, #tpu.memory_space<vmem>>, vector<1x16xf32>,
      %get3A_216 = vector.shape_cast %get3A_215 : vector<1x16xf32> to vector<16xf32>
      %add3A_217 = arith.addf %add3A_175, %get3A_216 : vector<16xf32>
      %scan3A_218 = arith.constant 2 : i32
      %scan3A_219 = arith.addi %scan3A_128, %scan3A_218 : i32
      %get3A_220 = arith.index_cast %scan3A_219 : i32 to index
      %get3A_221 = arith.constant 0 : index
      %get3A_222 = tpu.vector_load %arg8[%get3A_220, %get3A_221] {strides = array<i32>} : memref<128x128xf32, #tpu.memory_space<vmem>>, vector<1x16xf32>,
      %get3A_223 = vector.shape_cast %get3A_222 : vector<1x16xf32> to vector<16xf32>
      %add3A_224 = arith.addf %add3A_182, %get3A_223 : vector<16xf32>
      %get3A_225 = arith.index_cast %scan3A_219 : i32 to index
      %get3A_226 = arith.constant 16 : index
      %get3A_227 = tpu.vector_load %arg8[%get3A_225, %get3A_226] {strides = array<i32>} : memref<128x128xf32, #tpu.memory_space<vmem>>, vector<1x16xf32>,
      %get3A_228 = vector.shape_cast %get3A_227 : vector<1x16xf32> to vector<16xf32>
      %add3A_229 = arith.addf %add3A_187, %get3A_228 : vector<16xf32>
      %get3A_230 = arith.index_cast %scan3A_219 : i32 to index
      %get3A_231 = arith.constant 32 : index
      %get3A_232 = tpu.vector_load %arg8[%get3A_230, %get3A_231] {strides = array<i32>} : memref<128x128xf32, #tpu.memory_space<vmem>>, vector<1x16xf32>,
      %get3A_233 = vector.shape_cast %get3A_232 : vector<1x16xf32> to vector<16xf32>
      %add3A_234 = arith.addf %add3A_192, %get3A_233 : vector<16xf32>
      %get3A_235 = arith.index_cast %scan3A_219 : i32 to index
      %get3A_236 = arith.constant 48 : index
      %get3A_237 = tpu.vector_load %arg8[%get3A_235, %get3A_236] {strides = array<i32>} : memref<128x128xf32, #tpu.memory_space<vmem>>, vector<1x16xf32>,
      %get3A_238 = vector.shape_cast %get3A_237 : vector<1x16xf32> to vector<16xf32>
      %add3A_239 = arith.addf %add3A_197, %get3A_238 : vector<16xf32>
      %get3A_240 = arith.index_cast %scan3A_219 : i32 to index
      %get3A_241 = arith.constant 64 : index
      %get3A_242 = tpu.vector_load %arg8[%get3A_240, %get3A_241] {strides = array<i32>} : memref<128x128xf32, #tpu.memory_space<vmem>>, vector<1x16xf32>,
      %get3A_243 = vector.shape_cast %get3A_242 : vector<1x16xf32> to vector<16xf32>
      %add3A_244 = arith.addf %add3A_202, %get3A_243 : vector<16xf32>
      %get3A_245 = arith.index_cast %scan3A_219 : i32 to index
      %get3A_246 = arith.constant 80 : index
      %get3A_247 = tpu.vector_load %arg8[%get3A_245, %get3A_246] {strides = array<i32>} : memref<128x128xf32, #tpu.memory_space<vmem>>, vector<1x16xf32>,
      %get3A_248 = vector.shape_cast %get3A_247 : vector<1x16xf32> to vector<16xf32>
      %add3A_249 = arith.addf %add3A_207, %get3A_248 : vector<16xf32>
      %get3A_250 = arith.index_cast %scan3A_219 : i32 to index
      %get3A_251 = arith.constant 96 : index
      %get3A_252 = tpu.vector_load %arg8[%get3A_250, %get3A_251] {strides = array<i32>} : memref<128x128xf32, #tpu.memory_space<vmem>>, vector<1x16xf32>,
      %get3A_253 = vector.shape_cast %get3A_252 : vector<1x16xf32> to vector<16xf32>
      %add3A_254 = arith.addf %add3A_212, %get3A_253 : vector<16xf32>
      %get3A_255 = arith.index_cast %scan3A_219 : i32 to index
      %get3A_256 = arith.constant 112 : index
      %get3A_257 = tpu.vector_load %arg8[%get3A_255, %get3A_256] {strides = array<i32>} : memref<128x128xf32, #tpu.memory_space<vmem>>, vector<1x16xf32>,
      %get3A_258 = vector.shape_cast %get3A_257 : vector<1x16xf32> to vector<16xf32>
      %add3A_259 = arith.addf %add3A_217, %get3A_258 : vector<16xf32>
      %scan3A_260 = arith.constant 3 : i32
      %scan3A_261 = arith.addi %scan3A_128, %scan3A_260 : i32
      %get3A_262 = arith.index_cast %scan3A_261 : i32 to index
      %get3A_263 = arith.constant 0 : index
      %get3A_264 = tpu.vector_load %arg8[%get3A_262, %get3A_263] {strides = array<i32>} : memref<128x128xf32, #tpu.memory_space<vmem>>, vector<1x16xf32>,
      %get3A_265 = vector.shape_cast %get3A_264 : vector<1x16xf32> to vector<16xf32>
      %add3A_266 = arith.addf %add3A_224, %get3A_265 : vector<16xf32>
      %get3A_267 = arith.index_cast %scan3A_261 : i32 to index
      %get3A_268 = arith.constant 16 : index
      %get3A_269 = tpu.vector_load %arg8[%get3A_267, %get3A_268] {strides = array<i32>} : memref<128x128xf32, #tpu.memory_space<vmem>>, vector<1x16xf32>,
      %get3A_270 = vector.shape_cast %get3A_269 : vector<1x16xf32> to vector<16xf32>
      %add3A_271 = arith.addf %add3A_229, %get3A_270 : vector<16xf32>
      %get3A_272 = arith.index_cast %scan3A_261 : i32 to index
      %get3A_273 = arith.constant 32 : index
      %get3A_274 = tpu.vector_load %arg8[%get3A_272, %get3A_273] {strides = array<i32>} : memref<128x128xf32, #tpu.memory_space<vmem>>, vector<1x16xf32>,
      %get3A_275 = vector.shape_cast %get3A_274 : vector<1x16xf32> to vector<16xf32>
      %add3A_276 = arith.addf %add3A_234, %get3A_275 : vector<16xf32>
      %get3A_277 = arith.index_cast %scan3A_261 : i32 to index
      %get3A_278 = arith.constant 48 : index
      %get3A_279 = tpu.vector_load %arg8[%get3A_277, %get3A_278] {strides = array<i32>} : memref<128x128xf32, #tpu.memory_space<vmem>>, vector<1x16xf32>,
      %get3A_280 = vector.shape_cast %get3A_279 : vector<1x16xf32> to vector<16xf32>
      %add3A_281 = arith.addf %add3A_239, %get3A_280 : vector<16xf32>
      %get3A_282 = arith.index_cast %scan3A_261 : i32 to index
      %get3A_283 = arith.constant 64 : index
      %get3A_284 = tpu.vector_load %arg8[%get3A_282, %get3A_283] {strides = array<i32>} : memref<128x128xf32, #tpu.memory_space<vmem>>, vector<1x16xf32>,
      %get3A_285 = vector.shape_cast %get3A_284 : vector<1x16xf32> to vector<16xf32>
      %add3A_286 = arith.addf %add3A_244, %get3A_285 : vector<16xf32>
      %get3A_287 = arith.index_cast %scan3A_261 : i32 to index
      %get3A_288 = arith.constant 80 : index
      %get3A_289 = tpu.vector_load %arg8[%get3A_287, %get3A_288] {strides = array<i32>} : memref<128x128xf32, #tpu.memory_space<vmem>>, vector<1x16xf32>,
      %get3A_290 = vector.shape_cast %get3A_289 : vector<1x16xf32> to vector<16xf32>
      %add3A_291 = arith.addf %add3A_249, %get3A_290 : vector<16xf32>
      %get3A_292 = arith.index_cast %scan3A_261 : i32 to index
      %get3A_293 = arith.constant 96 : index
      %get3A_294 = tpu.vector_load %arg8[%get3A_292, %get3A_293] {strides = array<i32>} : memref<128x128xf32, #tpu.memory_space<vmem>>, vector<1x16xf32>,
      %get3A_295 = vector.shape_cast %get3A_294 : vector<1x16xf32> to vector<16xf32>
      %add3A_296 = arith.addf %add3A_254, %get3A_295 : vector<16xf32>
      %get3A_297 = arith.index_cast %scan3A_261 : i32 to index
      %get3A_298 = arith.constant 112 : index
      %get3A_299 = tpu.vector_load %arg8[%get3A_297, %get3A_298] {strides = array<i32>} : memref<128x128xf32, #tpu.memory_space<vmem>>, vector<1x16xf32>,
      %get3A_300 = vector.shape_cast %get3A_299 : vector<1x16xf32> to vector<16xf32>
      %add3A_301 = arith.addf %add3A_259, %get3A_300 : vector<16xf32>
      scf.yield %add3A_266, %add3A_271, %add3A_276, %add3A_281, %add3A_286, %add3A_291, %add3A_296, %add3A_301 : vector<16xf32>, vector<16xf32>, vector<16xf32>, vector<16xf32>, vector<16xf32>, vector<16xf32>, vector<16xf32>, vector<16xf32>
    }
    %scan3A_69 = arith.constant 128 : i32
    %dma_wait3A_70 = arith.constant 384 : i32
    %dma_wait3A_71 = tpu.memref_slice %arg5[%dma_wait3A_70] : memref<512xi32, #tpu.memory_space<vmem>> -> memref<128xi32, #tpu.memory_space<vmem>>
    %dma_wait3A_72 = arith.constant 0 : i32
    %dma_wait3A_73 = arith.constant 0 : i32
    %dma_wait3A_74 = tpu.memref_slice %arg3[%dma_wait3A_72, %dma_wait3A_73] : memref<100000x128xf32, #tpu.memory_space<hbm>> -> memref<100000x128xf32, #tpu.memory_space<hbm>>
    tpu.wait_indirect_dma semaphore(%arg10 : memref<!tpu.dma_semaphore, #tpu.memory_space<semaphore_mem>>) src(%dma_wait3A_74 : memref<100000x128xf32, #tpu.memory_space<hbm>>) dst(%arg6 : memref<128x128xf32, #tpu.memory_space<vmem>>)
    %scan3A_75 = arith.constant 0 : i32
    %scan3A_76 = arith.constant 128 : i32
    %scan3A_77 = arith.addi %scan3A_75, %scan3A_76 : i32
    %scan3A_78 = arith.constant 4 : i32
    %scan3A_79:8 = scf.for %scan3A_128 = %scan3A_75 to %scan3A_77 step %scan3A_78 iter_args(%scan3A_129 = %scan3A_68#0, %scan3A_130 = %scan3A_68#1, %scan3A_131 = %scan3A_68#2, %scan3A_132 = %scan3A_68#3, %scan3A_133 = %scan3A_68#4, %scan3A_134 = %scan3A_68#5, %scan3A_135 = %scan3A_68#6, %scan3A_136 = %scan3A_68#7) -> (vector<16xf32>, vector<16xf32>, vector<16xf32>, vector<16xf32>, vector<16xf32>, vector<16xf32>, vector<16xf32>, vector<16xf32>)  : i32 {
      %get3A = arith.index_cast %scan3A_128 : i32 to index
      %get3A_137 = arith.constant 0 : index
      %get3A_138 = tpu.vector_load %arg6[%get3A, %get3A_137] {strides = array<i32>} : memref<128x128xf32, #tpu.memory_space<vmem>>, vector<1x16xf32>,
      %get3A_139 = vector.shape_cast %get3A_138 : vector<1x16xf32> to vector<16xf32>
      %add3A_140 = arith.addf %scan3A_129, %get3A_139 : vector<16xf32>
      %get3A_141 = arith.index_cast %scan3A_128 : i32 to index
      %get3A_142 = arith.constant 16 : index
      %get3A_143 = tpu.vector_load %arg6[%get3A_141, %get3A_142] {strides = array<i32>} : memref<128x128xf32, #tpu.memory_space<vmem>>, vector<1x16xf32>,
      %get3A_144 = vector.shape_cast %get3A_143 : vector<1x16xf32> to vector<16xf32>
      %add3A_145 = arith.addf %scan3A_130, %get3A_144 : vector<16xf32>
      %get3A_146 = arith.index_cast %scan3A_128 : i32 to index
      %get3A_147 = arith.constant 32 : index
      %get3A_148 = tpu.vector_load %arg6[%get3A_146, %get3A_147] {strides = array<i32>} : memref<128x128xf32, #tpu.memory_space<vmem>>, vector<1x16xf32>,
      %get3A_149 = vector.shape_cast %get3A_148 : vector<1x16xf32> to vector<16xf32>
      %add3A_150 = arith.addf %scan3A_131, %get3A_149 : vector<16xf32>
      %get3A_151 = arith.index_cast %scan3A_128 : i32 to index
      %get3A_152 = arith.constant 48 : index
      %get3A_153 = tpu.vector_load %arg6[%get3A_151, %get3A_152] {strides = array<i32>} : memref<128x128xf32, #tpu.memory_space<vmem>>, vector<1x16xf32>,
      %get3A_154 = vector.shape_cast %get3A_153 : vector<1x16xf32> to vector<16xf32>
      %add3A_155 = arith.addf %scan3A_132, %get3A_154 : vector<16xf32>
      %get3A_156 = arith.index_cast %scan3A_128 : i32 to index
      %get3A_157 = arith.constant 64 : index
      %get3A_158 = tpu.vector_load %arg6[%get3A_156, %get3A_157] {strides = array<i32>} : memref<128x128xf32, #tpu.memory_space<vmem>>, vector<1x16xf32>,
      %get3A_159 = vector.shape_cast %get3A_158 : vector<1x16xf32> to vector<16xf32>
      %add3A_160 = arith.addf %scan3A_133, %get3A_159 : vector<16xf32>
      %get3A_161 = arith.index_cast %scan3A_128 : i32 to index
      %get3A_162 = arith.constant 80 : index
      %get3A_163 = tpu.vector_load %arg6[%get3A_161, %get3A_162] {strides = array<i32>} : memref<128x128xf32, #tpu.memory_space<vmem>>, vector<1x16xf32>,
      %get3A_164 = vector.shape_cast %get3A_163 : vector<1x16xf32> to vector<16xf32>
      %add3A_165 = arith.addf %scan3A_134, %get3A_164 : vector<16xf32>
      %get3A_166 = arith.index_cast %scan3A_128 : i32 to index
      %get3A_167 = arith.constant 96 : index
      %get3A_168 = tpu.vector_load %arg6[%get3A_166, %get3A_167] {strides = array<i32>} : memref<128x128xf32, #tpu.memory_space<vmem>>, vector<1x16xf32>,
      %get3A_169 = vector.shape_cast %get3A_168 : vector<1x16xf32> to vector<16xf32>
      %add3A_170 = arith.addf %scan3A_135, %get3A_169 : vector<16xf32>
      %get3A_171 = arith.index_cast %scan3A_128 : i32 to index
      %get3A_172 = arith.constant 112 : index
      %get3A_173 = tpu.vector_load %arg6[%get3A_171, %get3A_172] {strides = array<i32>} : memref<128x128xf32, #tpu.memory_space<vmem>>, vector<1x16xf32>,
      %get3A_174 = vector.shape_cast %get3A_173 : vector<1x16xf32> to vector<16xf32>
      %add3A_175 = arith.addf %scan3A_136, %get3A_174 : vector<16xf32>
      %scan3A_176 = arith.constant 1 : i32
      %scan3A_177 = arith.addi %scan3A_128, %scan3A_176 : i32
      %get3A_178 = arith.index_cast %scan3A_177 : i32 to index
      %get3A_179 = arith.constant 0 : index
      %get3A_180 = tpu.vector_load %arg6[%get3A_178, %get3A_179] {strides = array<i32>} : memref<128x128xf32, #tpu.memory_space<vmem>>, vector<1x16xf32>,
      %get3A_181 = vector.shape_cast %get3A_180 : vector<1x16xf32> to vector<16xf32>
      %add3A_182 = arith.addf %add3A_140, %get3A_181 : vector<16xf32>
      %get3A_183 = arith.index_cast %scan3A_177 : i32 to index
      %get3A_184 = arith.constant 16 : index
      %get3A_185 = tpu.vector_load %arg6[%get3A_183, %get3A_184] {strides = array<i32>} : memref<128x128xf32, #tpu.memory_space<vmem>>, vector<1x16xf32>,
      %get3A_186 = vector.shape_cast %get3A_185 : vector<1x16xf32> to vector<16xf32>
      %add3A_187 = arith.addf %add3A_145, %get3A_186 : vector<16xf32>
      %get3A_188 = arith.index_cast %scan3A_177 : i32 to index
      %get3A_189 = arith.constant 32 : index
      %get3A_190 = tpu.vector_load %arg6[%get3A_188, %get3A_189] {strides = array<i32>} : memref<128x128xf32, #tpu.memory_space<vmem>>, vector<1x16xf32>,
      %get3A_191 = vector.shape_cast %get3A_190 : vector<1x16xf32> to vector<16xf32>
      %add3A_192 = arith.addf %add3A_150, %get3A_191 : vector<16xf32>
      %get3A_193 = arith.index_cast %scan3A_177 : i32 to index
      %get3A_194 = arith.constant 48 : index
      %get3A_195 = tpu.vector_load %arg6[%get3A_193, %get3A_194] {strides = array<i32>} : memref<128x128xf32, #tpu.memory_space<vmem>>, vector<1x16xf32>,
      %get3A_196 = vector.shape_cast %get3A_195 : vector<1x16xf32> to vector<16xf32>
      %add3A_197 = arith.addf %add3A_155, %get3A_196 : vector<16xf32>
      %get3A_198 = arith.index_cast %scan3A_177 : i32 to index
      %get3A_199 = arith.constant 64 : index
      %get3A_200 = tpu.vector_load %arg6[%get3A_198, %get3A_199] {strides = array<i32>} : memref<128x128xf32, #tpu.memory_space<vmem>>, vector<1x16xf32>,
      %get3A_201 = vector.shape_cast %get3A_200 : vector<1x16xf32> to vector<16xf32>
      %add3A_202 = arith.addf %add3A_160, %get3A_201 : vector<16xf32>
      %get3A_203 = arith.index_cast %scan3A_177 : i32 to index
      %get3A_204 = arith.constant 80 : index
      %get3A_205 = tpu.vector_load %arg6[%get3A_203, %get3A_204] {strides = array<i32>} : memref<128x128xf32, #tpu.memory_space<vmem>>, vector<1x16xf32>,
      %get3A_206 = vector.shape_cast %get3A_205 : vector<1x16xf32> to vector<16xf32>
      %add3A_207 = arith.addf %add3A_165, %get3A_206 : vector<16xf32>
      %get3A_208 = arith.index_cast %scan3A_177 : i32 to index
      %get3A_209 = arith.constant 96 : index
      %get3A_210 = tpu.vector_load %arg6[%get3A_208, %get3A_209] {strides = array<i32>} : memref<128x128xf32, #tpu.memory_space<vmem>>, vector<1x16xf32>,
      %get3A_211 = vector.shape_cast %get3A_210 : vector<1x16xf32> to vector<16xf32>
      %add3A_212 = arith.addf %add3A_170, %get3A_211 : vector<16xf32>
      %get3A_213 = arith.index_cast %scan3A_177 : i32 to index
      %get3A_214 = arith.constant 112 : index
      %get3A_215 = tpu.vector_load %arg6[%get3A_213, %get3A_214] {strides = array<i32>} : memref<128x128xf32, #tpu.memory_space<vmem>>, vector<1x16xf32>,
      %get3A_216 = vector.shape_cast %get3A_215 : vector<1x16xf32> to vector<16xf32>
      %add3A_217 = arith.addf %add3A_175, %get3A_216 : vector<16xf32>
      %scan3A_218 = arith.constant 2 : i32
      %scan3A_219 = arith.addi %scan3A_128, %scan3A_218 : i32
      %get3A_220 = arith.index_cast %scan3A_219 : i32 to index
      %get3A_221 = arith.constant 0 : index
      %get3A_222 = tpu.vector_load %arg6[%get3A_220, %get3A_221] {strides = array<i32>} : memref<128x128xf32, #tpu.memory_space<vmem>>, vector<1x16xf32>,
      %get3A_223 = vector.shape_cast %get3A_222 : vector<1x16xf32> to vector<16xf32>
      %add3A_224 = arith.addf %add3A_182, %get3A_223 : vector<16xf32>
      %get3A_225 = arith.index_cast %scan3A_219 : i32 to index
      %get3A_226 = arith.constant 16 : index
      %get3A_227 = tpu.vector_load %arg6[%get3A_225, %get3A_226] {strides = array<i32>} : memref<128x128xf32, #tpu.memory_space<vmem>>, vector<1x16xf32>,
      %get3A_228 = vector.shape_cast %get3A_227 : vector<1x16xf32> to vector<16xf32>
      %add3A_229 = arith.addf %add3A_187, %get3A_228 : vector<16xf32>
      %get3A_230 = arith.index_cast %scan3A_219 : i32 to index
      %get3A_231 = arith.constant 32 : index
      %get3A_232 = tpu.vector_load %arg6[%get3A_230, %get3A_231] {strides = array<i32>} : memref<128x128xf32, #tpu.memory_space<vmem>>, vector<1x16xf32>,
      %get3A_233 = vector.shape_cast %get3A_232 : vector<1x16xf32> to vector<16xf32>
      %add3A_234 = arith.addf %add3A_192, %get3A_233 : vector<16xf32>
      %get3A_235 = arith.index_cast %scan3A_219 : i32 to index
      %get3A_236 = arith.constant 48 : index
      %get3A_237 = tpu.vector_load %arg6[%get3A_235, %get3A_236] {strides = array<i32>} : memref<128x128xf32, #tpu.memory_space<vmem>>, vector<1x16xf32>,
      %get3A_238 = vector.shape_cast %get3A_237 : vector<1x16xf32> to vector<16xf32>
      %add3A_239 = arith.addf %add3A_197, %get3A_238 : vector<16xf32>
      %get3A_240 = arith.index_cast %scan3A_219 : i32 to index
      %get3A_241 = arith.constant 64 : index
      %get3A_242 = tpu.vector_load %arg6[%get3A_240, %get3A_241] {strides = array<i32>} : memref<128x128xf32, #tpu.memory_space<vmem>>, vector<1x16xf32>,
      %get3A_243 = vector.shape_cast %get3A_242 : vector<1x16xf32> to vector<16xf32>
      %add3A_244 = arith.addf %add3A_202, %get3A_243 : vector<16xf32>
      %get3A_245 = arith.index_cast %scan3A_219 : i32 to index
      %get3A_246 = arith.constant 80 : index
      %get3A_247 = tpu.vector_load %arg6[%get3A_245, %get3A_246] {strides = array<i32>} : memref<128x128xf32, #tpu.memory_space<vmem>>, vector<1x16xf32>,
      %get3A_248 = vector.shape_cast %get3A_247 : vector<1x16xf32> to vector<16xf32>
      %add3A_249 = arith.addf %add3A_207, %get3A_248 : vector<16xf32>
      %get3A_250 = arith.index_cast %scan3A_219 : i32 to index
      %get3A_251 = arith.constant 96 : index
      %get3A_252 = tpu.vector_load %arg6[%get3A_250, %get3A_251] {strides = array<i32>} : memref<128x128xf32, #tpu.memory_space<vmem>>, vector<1x16xf32>,
      %get3A_253 = vector.shape_cast %get3A_252 : vector<1x16xf32> to vector<16xf32>
      %add3A_254 = arith.addf %add3A_212, %get3A_253 : vector<16xf32>
      %get3A_255 = arith.index_cast %scan3A_219 : i32 to index
      %get3A_256 = arith.constant 112 : index
      %get3A_257 = tpu.vector_load %arg6[%get3A_255, %get3A_256] {strides = array<i32>} : memref<128x128xf32, #tpu.memory_space<vmem>>, vector<1x16xf32>,
      %get3A_258 = vector.shape_cast %get3A_257 : vector<1x16xf32> to vector<16xf32>
      %add3A_259 = arith.addf %add3A_217, %get3A_258 : vector<16xf32>
      %scan3A_260 = arith.constant 3 : i32
      %scan3A_261 = arith.addi %scan3A_128, %scan3A_260 : i32
      %get3A_262 = arith.index_cast %scan3A_261 : i32 to index
      %get3A_263 = arith.constant 0 : index
      %get3A_264 = tpu.vector_load %arg6[%get3A_262, %get3A_263] {strides = array<i32>} : memref<128x128xf32, #tpu.memory_space<vmem>>, vector<1x16xf32>,
      %get3A_265 = vector.shape_cast %get3A_264 : vector<1x16xf32> to vector<16xf32>
      %add3A_266 = arith.addf %add3A_224, %get3A_265 : vector<16xf32>
      %get3A_267 = arith.index_cast %scan3A_261 : i32 to index
      %get3A_268 = arith.constant 16 : index
      %get3A_269 = tpu.vector_load %arg6[%get3A_267, %get3A_268] {strides = array<i32>} : memref<128x128xf32, #tpu.memory_space<vmem>>, vector<1x16xf32>,
      %get3A_270 = vector.shape_cast %get3A_269 : vector<1x16xf32> to vector<16xf32>
      %add3A_271 = arith.addf %add3A_229, %get3A_270 : vector<16xf32>
      %get3A_272 = arith.index_cast %scan3A_261 : i32 to index
      %get3A_273 = arith.constant 32 : index
      %get3A_274 = tpu.vector_load %arg6[%get3A_272, %get3A_273] {strides = array<i32>} : memref<128x128xf32, #tpu.memory_space<vmem>>, vector<1x16xf32>,
      %get3A_275 = vector.shape_cast %get3A_274 : vector<1x16xf32> to vector<16xf32>
      %add3A_276 = arith.addf %add3A_234, %get3A_275 : vector<16xf32>
      %get3A_277 = arith.index_cast %scan3A_261 : i32 to index
      %get3A_278 = arith.constant 48 : index
      %get3A_279 = tpu.vector_load %arg6[%get3A_277, %get3A_278] {strides = array<i32>} : memref<128x128xf32, #tpu.memory_space<vmem>>, vector<1x16xf32>,
      %get3A_280 = vector.shape_cast %get3A_279 : vector<1x16xf32> to vector<16xf32>
      %add3A_281 = arith.addf %add3A_239, %get3A_280 : vector<16xf32>
      %get3A_282 = arith.index_cast %scan3A_261 : i32 to index
      %get3A_283 = arith.constant 64 : index
      %get3A_284 = tpu.vector_load %arg6[%get3A_282, %get3A_283] {strides = array<i32>} : memref<128x128xf32, #tpu.memory_space<vmem>>, vector<1x16xf32>,
      %get3A_285 = vector.shape_cast %get3A_284 : vector<1x16xf32> to vector<16xf32>
      %add3A_286 = arith.addf %add3A_244, %get3A_285 : vector<16xf32>
      %get3A_287 = arith.index_cast %scan3A_261 : i32 to index
      %get3A_288 = arith.constant 80 : index
      %get3A_289 = tpu.vector_load %arg6[%get3A_287, %get3A_288] {strides = array<i32>} : memref<128x128xf32, #tpu.memory_space<vmem>>, vector<1x16xf32>,
      %get3A_290 = vector.shape_cast %get3A_289 : vector<1x16xf32> to vector<16xf32>
      %add3A_291 = arith.addf %add3A_249, %get3A_290 : vector<16xf32>
      %get3A_292 = arith.index_cast %scan3A_261 : i32 to index
      %get3A_293 = arith.constant 96 : index
      %get3A_294 = tpu.vector_load %arg6[%get3A_292, %get3A_293] {strides = array<i32>} : memref<128x128xf32, #tpu.memory_space<vmem>>, vector<1x16xf32>,
      %get3A_295 = vector.shape_cast %get3A_294 : vector<1x16xf32> to vector<16xf32>
      %add3A_296 = arith.addf %add3A_254, %get3A_295 : vector<16xf32>
      %get3A_297 = arith.index_cast %scan3A_261 : i32 to index
      %get3A_298 = arith.constant 112 : index
      %get3A_299 = tpu.vector_load %arg6[%get3A_297, %get3A_298] {strides = array<i32>} : memref<128x128xf32, #tpu.memory_space<vmem>>, vector<1x16xf32>,
      %get3A_300 = vector.shape_cast %get3A_299 : vector<1x16xf32> to vector<16xf32>
      %add3A_301 = arith.addf %add3A_259, %get3A_300 : vector<16xf32>
      scf.yield %add3A_266, %add3A_271, %add3A_276, %add3A_281, %add3A_286, %add3A_291, %add3A_296, %add3A_301 : vector<16xf32>, vector<16xf32>, vector<16xf32>, vector<16xf32>, vector<16xf32>, vector<16xf32>, vector<16xf32>, vector<16xf32>
    }
    %scan3A_80 = arith.constant 128 : i32
    %swap3A = arith.constant 0 : i32
    %swap3A_81 = arith.index_cast %swap3A : i32 to index
    %swap3A_82 = arith.constant 0 : index
    %swap3A_83 = tpu.vector_load %arg9[%swap3A_81, %swap3A_82] {strides = array<i32>} : memref<1x128xf32, #tpu.memory_space<vmem>>, vector<1x16xf32>,
    %swap3A_84 = vector.shape_cast %swap3A_83 : vector<1x16xf32> to vector<16xf32>
    %swap3A_85 = vector.shape_cast %scan3A_79#0 : vector<16xf32> to vector<1x16xf32>
    tpu.vector_store %arg9[%swap3A_81, %swap3A_82], %swap3A_85 {strides = array<i32>} : memref<1x128xf32, #tpu.memory_space<vmem>>, vector<1x16xf32>,
    %swap3A_86 = arith.constant 0 : i32
    %swap3A_87 = arith.index_cast %swap3A_86 : i32 to index
    %swap3A_88 = arith.constant 16 : index
    %swap3A_89 = tpu.vector_load %arg9[%swap3A_87, %swap3A_88] {strides = array<i32>} : memref<1x128xf32, #tpu.memory_space<vmem>>, vector<1x16xf32>,
    %swap3A_90 = vector.shape_cast %swap3A_89 : vector<1x16xf32> to vector<16xf32>
    %swap3A_91 = vector.shape_cast %scan3A_79#1 : vector<16xf32> to vector<1x16xf32>
    tpu.vector_store %arg9[%swap3A_87, %swap3A_88], %swap3A_91 {strides = array<i32>} : memref<1x128xf32, #tpu.memory_space<vmem>>, vector<1x16xf32>,
    %swap3A_92 = arith.constant 0 : i32
    %swap3A_93 = arith.index_cast %swap3A_92 : i32 to index
    %swap3A_94 = arith.constant 32 : index
    %swap3A_95 = tpu.vector_load %arg9[%swap3A_93, %swap3A_94] {strides = array<i32>} : memref<1x128xf32, #tpu.memory_space<vmem>>, vector<1x16xf32>,
    %swap3A_96 = vector.shape_cast %swap3A_95 : vector<1x16xf32> to vector<16xf32>
    %swap3A_97 = vector.shape_cast %scan3A_79#2 : vector<16xf32> to vector<1x16xf32>
    tpu.vector_store %arg9[%swap3A_93, %swap3A_94], %swap3A_97 {strides = array<i32>} : memref<1x128xf32, #tpu.memory_space<vmem>>, vector<1x16xf32>,
    %swap3A_98 = arith.constant 0 : i32
    %swap3A_99 = arith.index_cast %swap3A_98 : i32 to index
    %swap3A_100 = arith.constant 48 : index
    %swap3A_101 = tpu.vector_load %arg9[%swap3A_99, %swap3A_100] {strides = array<i32>} : memref<1x128xf32, #tpu.memory_space<vmem>>, vector<1x16xf32>,
    %swap3A_102 = vector.shape_cast %swap3A_101 : vector<1x16xf32> to vector<16xf32>
    %swap3A_103 = vector.shape_cast %scan3A_79#3 : vector<16xf32> to vector<1x16xf32>
    tpu.vector_store %arg9[%swap3A_99, %swap3A_100], %swap3A_103 {strides = array<i32>} : memref<1x128xf32, #tpu.memory_space<vmem>>, vector<1x16xf32>,
    %swap3A_104 = arith.constant 0 : i32
    %swap3A_105 = arith.index_cast %swap3A_104 : i32 to index
    %swap3A_106 = arith.constant 64 : index
    %swap3A_107 = tpu.vector_load %arg9[%swap3A_105, %swap3A_106] {strides = array<i32>} : memref<1x128xf32, #tpu.memory_space<vmem>>, vector<1x16xf32>,
    %swap3A_108 = vector.shape_cast %swap3A_107 : vector<1x16xf32> to vector<16xf32>
    %swap3A_109 = vector.shape_cast %scan3A_79#4 : vector<16xf32> to vector<1x16xf32>
    tpu.vector_store %arg9[%swap3A_105, %swap3A_106], %swap3A_109 {strides = array<i32>} : memref<1x128xf32, #tpu.memory_space<vmem>>, vector<1x16xf32>,
    %swap3A_110 = arith.constant 0 : i32
    %swap3A_111 = arith.index_cast %swap3A_110 : i32 to index
    %swap3A_112 = arith.constant 80 : index
    %swap3A_113 = tpu.vector_load %arg9[%swap3A_111, %swap3A_112] {strides = array<i32>} : memref<1x128xf32, #tpu.memory_space<vmem>>, vector<1x16xf32>,
    %swap3A_114 = vector.shape_cast %swap3A_113 : vector<1x16xf32> to vector<16xf32>
    %swap3A_115 = vector.shape_cast %scan3A_79#5 : vector<16xf32> to vector<1x16xf32>
    tpu.vector_store %arg9[%swap3A_111, %swap3A_112], %swap3A_115 {strides = array<i32>} : memref<1x128xf32, #tpu.memory_space<vmem>>, vector<1x16xf32>,
    %swap3A_116 = arith.constant 0 : i32
    %swap3A_117 = arith.index_cast %swap3A_116 : i32 to index
    %swap3A_118 = arith.constant 96 : index
    %swap3A_119 = tpu.vector_load %arg9[%swap3A_117, %swap3A_118] {strides = array<i32>} : memref<1x128xf32, #tpu.memory_space<vmem>>, vector<1x16xf32>,
    %swap3A_120 = vector.shape_cast %swap3A_119 : vector<1x16xf32> to vector<16xf32>
    %swap3A_121 = vector.shape_cast %scan3A_79#6 : vector<16xf32> to vector<1x16xf32>
    tpu.vector_store %arg9[%swap3A_117, %swap3A_118], %swap3A_121 {strides = array<i32>} : memref<1x128xf32, #tpu.memory_space<vmem>>, vector<1x16xf32>,
    %swap3A_122 = arith.constant 0 : i32
    %swap3A_123 = arith.index_cast %swap3A_122 : i32 to index
    %swap3A_124 = arith.constant 112 : index
    %swap3A_125 = tpu.vector_load %arg9[%swap3A_123, %swap3A_124] {strides = array<i32>} : memref<1x128xf32, #tpu.memory_space<vmem>>, vector<1x16xf32>,
    %swap3A_126 = vector.shape_cast %swap3A_125 : vector<1x16xf32> to vector<16xf32>
    %swap3A_127 = vector.shape_cast %scan3A_79#7 : vector<16xf32> to vector<1x16xf32>
    tpu.vector_store %arg9[%swap3A_123, %swap3A_124], %swap3A_127 {strides = array<i32>} : memref<1x128xf32, #tpu.memory_space<vmem>>, vector<1x16xf32>,
    "tpu.region"() ({
      %run_scoped3A = tpu.sem_alloc : memref<!tpu.dma_semaphore, #tpu.memory_space<semaphore_mem>>
      %dma_start3A_128 = arith.constant 0 : i32
      %dma_start3A_129 = tpu.memref_slice %arg4[%add3A, %dma_start3A_128] : memref<32x128xf32, #tpu.memory_space<hbm>> -> memref<1x128xf32, #tpu.memory_space<hbm>>
      %dma_start3A_130 = arith.constant 0 : i32
      %dma_start3A_131 = tpu.memref_slice %arg4[%add3A, %dma_start3A_130] : memref<32x128xf32, #tpu.memory_space<hbm>> -> memref<1x128xf32, #tpu.memory_space<hbm>>
      tpu.enqueue_dma source(%arg9 : memref<1x128xf32, #tpu.memory_space<vmem>>) target(%dma_start3A_131 : memref<1x128xf32, #tpu.memory_space<hbm>>) target_semaphore(%run_scoped3A : memref<!tpu.dma_semaphore, #tpu.memory_space<semaphore_mem>>)
      %dma_wait3A_132 = arith.constant 0 : i32
      %dma_wait3A_133 = tpu.memref_slice %arg4[%add3A, %dma_wait3A_132] : memref<32x128xf32, #tpu.memory_space<hbm>> -> memref<1x128xf32, #tpu.memory_space<hbm>>
      %dma_wait3A_134 = arith.constant 0 : i32
      %dma_wait3A_135 = tpu.memref_slice %arg4[%add3A, %dma_wait3A_134] : memref<32x128xf32, #tpu.memory_space<hbm>> -> memref<1x128xf32, #tpu.memory_space<hbm>>
      tpu.wait_dma2 semaphore(%run_scoped3A : memref<!tpu.dma_semaphore, #tpu.memory_space<semaphore_mem>>) src(%arg9 : memref<1x128xf32, #tpu.memory_space<vmem>>) dst(%dma_wait3A_135 : memref<1x128xf32, #tpu.memory_space<hbm>>)
      tpu.yield
    }) : () -> ()
    return
  }
}

module attributes {stable_mosaic.version = 14 : i64} {
  func.func @_mlp_body(%arg0: memref<32x128xf32, #tpu.memory_space<vmem>>, %arg1: memref<128x256xf32, #tpu.memory_space<vmem>>, %arg2: memref<1x256xf32, #tpu.memory_space<vmem>>, %arg3: memref<1000x256xf32, #tpu.memory_space<vmem>>, %arg4: memref<1x1000xf32, #tpu.memory_space<vmem>>, %arg5: memref<1x1000xf32, #tpu.memory_space<vmem>>) attributes {dimension_semantics = [], scalar_prefetch = 0 : i64, scratch_operands = 0 : i64, tpu.core_type = #tpu.core_type<tc>} {
    %get3A = arith.constant 0 : index
    %get3A_0 = arith.constant 0 : index
    %get3A_1 = vector.load %arg0[%get3A, %get3A_0] : memref<32x128xf32, #tpu.memory_space<vmem>>, vector<32x128xf32>
    %reduce_sum3A = arith.constant dense<0.000000e+00> : vector<128xf32>
    %reduce_sum3A_2 = vector.multi_reduction <add>, %get3A_1, %reduce_sum3A [0] : vector<32x128xf32> to vector<128xf32>
    %broadcast_in_dim3A = vector.shape_cast %reduce_sum3A_2 : vector<128xf32> to vector<1x128xf32>
    %get3A_3 = arith.constant 0 : index
    %get3A_4 = arith.constant 0 : index
    %get3A_5 = vector.load %arg1[%get3A_3, %get3A_4] : memref<128x256xf32, #tpu.memory_space<vmem>>, vector<128x256xf32>
    %dot_general3A = arith.constant dense<0.000000e+00> : vector<1x256xf32>
    %dot_general3A_6 = tpu.matmul %broadcast_in_dim3A, %get3A_5, %dot_general3A {dimension_numbers = #tpu.dot_dimension_numbers<[1], [0], [0], [1], [0, 0, 1, 1], [], []>, transpose_lhs_hint = false} : vector<1x128xf32>, vector<128x256xf32>, vector<1x256xf32> -> vector<1x256xf32>
    %get3A_7 = arith.constant 0 : index
    %get3A_8 = arith.constant 0 : index
    %get3A_9 = vector.load %arg2[%get3A_7, %get3A_8] : memref<1x256xf32, #tpu.memory_space<vmem>>, vector<1x256xf32>
    %add3A = arith.addf %dot_general3A_6, %get3A_9 : vector<1x256xf32>
    %max3A = arith.constant 0.000000e+00 : f32
    %max3A_10 = vector.broadcast %max3A : f32 to vector<1x256xf32>
    %max3A_11 = arith.maximumf %add3A, %max3A_10 : vector<1x256xf32>
    %get3A_12 = arith.constant 0 : index
    %get3A_13 = arith.constant 0 : index
    %get3A_14 = vector.load %arg3[%get3A_12, %get3A_13] : memref<1000x256xf32, #tpu.memory_space<vmem>>, vector<1000x256xf32>
    %dot_general3A_15 = arith.constant dense<0.000000e+00> : vector<1x1000xf32>
    %dot_general3A_16 = tpu.matmul %max3A_11, %get3A_14, %dot_general3A_15 {dimension_numbers = #tpu.dot_dimension_numbers<[1], [1], [0], [0], [0, 0, 1, 0], [], []>, transpose_lhs_hint = false} : vector<1x256xf32>, vector<1000x256xf32>, vector<1x1000xf32> -> vector<1x1000xf32>
    %get3A_17 = arith.constant 0 : index
    %get3A_18 = arith.constant 0 : index
    %get3A_19 = vector.load %arg4[%get3A_17, %get3A_18] : memref<1x1000xf32, #tpu.memory_space<vmem>>, vector<1x1000xf32>
    %add3A_20 = arith.addf %dot_general3A_16, %get3A_19 : vector<1x1000xf32>
    %swap3A = arith.constant 0 : index
    %swap3A_21 = arith.constant 0 : index
    %swap3A_22 = vector.load %arg5[%swap3A, %swap3A_21] : memref<1x1000xf32, #tpu.memory_space<vmem>>, vector<1x1000xf32>
    tpu.vector_store %arg5[%swap3A, %swap3A_21], %add3A_20 {strides = array<i32>} : memref<1x1000xf32, #tpu.memory_space<vmem>>, vector<1x1000xf32>,
    return
  }
}

</mosaic_0001>

<sc_bundles>
// kernel: kernel.4.cloned.1.call-start
scs
__scs_entry_jumppad:
0x0: {  	(pc) =	sbr.rel $0x88, $3  }
0x1: {  	(tag) =	ssettag $0x0;
	lr =	simm.s32 $0x1  }
0x2: {  	[smem:$0x3F9B] =	sst lr;
	_ =	strace $0xD0000000  }
0x3: {  	_ = 	snop  }
0x4: {  	_ = 	snop  }
0x5: {  	_ = 	snop  }
0x6: {  	_ = 	snop  }
0x7: {  	_ = 	snop  }
__scs_overlays_trampoline_lowered:
0x8: {  	[smem:$0x3FAA] =	sst s0  }
0x9: {  	[smem:$0x3FAB] =	sst s1  }
0xa: {  	[smem:$0x3FAC] =	sst s2  }
0xb: {  	[smem:$0x3FAD] =	sst s3  }
0xc: {  	[smem:$0x3FAE] =	sst s4  }
0xd: {  	[smem:$0x3FAF] =	sst s5  }
0xe: {  	[smem:$0x3FB0] =	sst s6  }
0xf: {  	[smem:$0x3FB1] =	sst s7  }
0x10: {  	[smem:$0x3FB2] =	sst s8  }
0x11: {  	[smem:$0x3FB3] =	sst s9;
	s0 =	simm.s32 @!p0 $0x0  }
0x12: {  	s1 =	sld [smem:$0x3F99];
	s0 =	simm.s32 @p0 $0x1  }
0x13: {  	[smem:$0x3FB4] =	sst s0;
	s0 =	simm.s32 @!p1 $0x0  }
0x14: {  	s2 =	sld [smem:$0x3F98];
	s0 =	simm.s32 @p1 $0x1  }
0x15: {  	[smem:$0x3FB5] =	sst s0;
	s0 =	simm.s32 @!p2 $0x0  }
0x16: {  	s3 =	sld [smem:$0x3FDB];
	s0 =	simm.s32 @p2 $0x1  }
0x17: {  	s4 =	simm.s32 $0x1BF5;
	[smem:$0x3FB7] =	sst s0  }
0x18: {  	s0 =	sld [smem:$0x3F9A];
	_ =	swait.ge [sflag:s4], $0x0  }
0x19: {  	s7 =	sld [smem:$0x3F9B]  }
0x1a: {  	s8 =	sadd.s32 $0xFFFFE003, lr  }
0x1b: {  	s9 =	sadd.s32 $0xFFFFFEF7, lr;
	s5 =	simm.s32 $0xFFFFFFFF;
	p2 =	slt.u32 s8, $0xFFFFF086  }
0x1c: {  	p1 =	slt.u32 s9, $0xF7A;
	s5 =	simm.s32 @!p2 $0x0  }
0x1d: {  	s5 =	simm.s32 @p1 $0x1;
	p0 =	seq.s32 s7, s2  }
0x1e: {  	s7 =	smul.u32 @!p0 $0xF7A, s2;
	p2 =	seq.s32 @!p0 s5, $0x0  }
0x1f: {  	s9 =	smul.u32 $0xF7A, s1;
	s8 =	simm.s32 @!p0 $0x1BF5;
	p2 =	por !p2, p0  }
0x20: {  	[sflag:s8] =	ssyncset.s32 @!p0 $0xFFFFF086;
	s6 =	sadd.s32 @!p0 s3, s7;
	s7 =	simm.s32 @!p0 $0x108  }
0x21: {  	s3 =	sadd.s32 s3, s9;
	s6 =	sadd.s32 @!p0 $0x88, s6;
	s7 =	simm.s32 @p2 $0x1082  }
0x22: {  	[simem:s7], [sflag:s8] =	dma.local @!p0 [hbm:s6], $0xF7A  }
0x23: {  	s9 =	sor.u32 $0xD0000000, s2;
	s6 =	simm.s32 $0x108;
	_ =	swait.ge @!p0 [sflag:s8], $0x0  }
0x24: {  	s3 =	sadd.s32 $0x88, s3;
	s6 =	simm.s32 @!p1 $0x1082;
	[sflag:s4] =	ssyncset.s32 $0xFFFFF086  }
0x25: {  	[simem:s6], [sflag:s4] =	dma.local [hbm:s3], $0xF7A  }
0x26: {  	[smem:$0x3F9B] =	sst s1;
	(tag) =	ssettag s2;
	_ =	strace s9  }
0x27: {  	s1 =	sld [smem:$0x3FAB]  }
0x28: {  	s2 =	sld [smem:$0x3FAC]  }
0x29: {  	s4 =	sld [smem:$0x3FAE]  }
0x2a: {  	p0 =	seq.s32 s5, $0x0;
	s5 =	sld [smem:$0x3FAF]  }
0x2b: {  	s6 =	sld [smem:$0x3FB0]  }
0x2c: {  	s7 =	sld [smem:$0x3FB1]  }
0x2d: {  	s3 =	simm.s32 $0x108;
	s8 =	sld [smem:$0x3FB2]  }
0x2e: {  	s3 =	simm.s32 @!p0 $0x1082;
	s9 =	sld [smem:$0x3FB3]  }
0x2f: {  	lr =	sadd.s32 s0, s3;
	s0 =	sld [smem:$0x3FAA]  }
0x30: {  	s3 =	sld [smem:$0x3FAD]  }
0x31: {  	[smem:$0x3FB6] =	sst s10  }
0x32: {  	s10 =	sld [smem:$0x3FB4];
	_ =	sdelay $0x3  }
0x33: {  	p0 =	seq.s32 s10, $0x1;
	s10 =	sld [smem:$0x3FB6];
	_ =	sdelay $0x3  }
0x34: {  	[smem:$0x3FB6] =	sst s10  }
0x35: {  	s10 =	sld [smem:$0x3FB5];
	_ =	sdelay $0x3  }
0x36: {  	p1 =	seq.s32 s10, $0x1;
	s10 =	sld [smem:$0x3FB6];
	_ =	sdelay $0x3  }
0x37: {  	[smem:$0x3FB6] =	sst s10  }
0x38: {  	s10 =	sld [smem:$0x3FB7]  }
0x39: {  	_ = 	snop;
	(pc) =	sbr.ind lr, $3  }
0x3a: {  	_ = 	snop  }
0x3b: {  	_ = 	snop  }
0x3c: {  	p2 =	seq.s32 s10, $0x1;
	s10 =	sld [smem:$0x3FB6]  }
0x3d: {  	_ =	shalt  }
0x3e: {  	_ =	shalt  }
0x3f: {  	_ =	shalt  }
0x40: {  	_ =	shalt  }
0x41: {  	_ =	shalt  }
0x42: {  	_ =	shalt  }
0x43: {  	_ =	shalt  }
0x44: {  	_ =	shalt  }
0x45: {  	_ =	shalt  }
0x46: {  	_ =	shalt  }
0x47: {  	_ =	shalt  }
0x48: {  	_ =	shalt  }
0x49: {  	_ =	shalt  }
0x4a: {  	_ =	shalt  }
0x4b: {  	_ =	shalt  }
0x4c: {  	_ =	shalt  }
0x4d: {  	_ =	shalt  }
0x4e: {  	_ =	shalt  }
0x4f: {  	_ =	shalt  }
0x50: {  	_ =	shalt  }
0x51: {  	_ =	shalt  }
0x52: {  	_ =	shalt  }
0x53: {  	_ =	shalt  }
0x54: {  	_ =	shalt  }
0x55: {  	_ =	shalt  }
0x56: {  	_ =	shalt  }
0x57: {  	_ =	shalt  }
0x58: {  	_ =	shalt  }
0x59: {  	_ =	shalt  }
0x5a: {  	_ =	shalt  }
0x5b: {  	_ =	shalt  }
0x5c: {  	_ =	shalt  }
0x5d: {  	_ =	shalt  }
0x5e: {  	_ =	shalt  }
0x5f: {  	_ =	shalt  }
0x60: {  	_ =	shalt  }
0x61: {  	_ =	shalt  }
0x62: {  	_ =	shalt  }
0x63: {  	_ =	shalt  }
0x64: {  	_ =	shalt  }
0x65: {  	_ =	shalt  }
0x66: {  	_ =	shalt  }
0x67: {  	_ =	shalt  }
0x68: {  	_ =	shalt  }
0x69: {  	_ =	shalt  }
0x6a: {  	_ =	shalt  }
0x6b: {  	_ =	shalt  }
0x6c: {  	_ =	shalt  }
0x6d: {  	_ =	shalt  }
0x6e: {  	_ =	shalt  }
0x6f: {  	_ =	shalt  }
0x70: {  	_ =	shalt  }
0x71: {  	_ =	shalt  }
0x72: {  	_ =	shalt  }
0x73: {  	_ =	shalt  }
0x74: {  	_ =	shalt  }
0x75: {  	_ =	shalt  }
0x76: {  	_ =	shalt  }
0x77: {  	_ =	shalt  }
0x78: {  	_ =	shalt  }
0x79: {  	_ =	shalt  }
0x7a: {  	_ =	shalt  }
0x7b: {  	_ =	shalt  }
0x7c: {  	_ =	shalt  }
0x7d: {  	_ =	shalt  }
0x7e: {  	_ =	shalt  }
0x7f: {  	_ =	shalt  }
0x80: {  	_ =	shalt  }
0x81: {  	_ =	shalt  }
0x82: {  	_ =	shalt  }
0x83: {  	_ =	shalt  }
0x84: {  	_ =	shalt  }
0x85: {  	_ =	shalt  }
0x86: {  	_ =	shalt  }
0x87: {  	_ =	shalt  }
.Lfunc_end0:
.L_simem_size_0:
called_computation_lowered:
.L_overlay_start_0:
0x88: {  	s2 =	sld [smem:$0x3FD9]  }
0x89: {  	s3 =	sld [smem:$0x3FFE];
	_ =	sdelay $0x1  }
0x8a: {  	s1 =	srdreg.scid  }
0x8b: {  	s0 =	sand.u32 $0x1, s1  }
0x8c: {  	s17 =	sshll.u32 s0, $0xA;
	s2 =	sadd.s32 s3, s2  }
0x8d: {  	s2 =	sadd.s32 s2, s17  }
0x8e: {  	[smem:$0x3FC2] =	sst s2  }
0x8f: {  	_ = 	snop  }
0x90: {  	s2 =	sld [smem:$0x3FC9]  }
0x91: {  	s18 =	sld [smem:$0x3FC8];
	(tm) =	ssettm $0x1  }
0x92: {  	s4 =	sld [smem:$0x3FFB];
	_ =	sdelay $0x3  }
0x93: {  	_ =	strace s4  }
0x94: {  	s4 =	sld [smem:$0x3FFC];
	_ =	sdelay $0x3  }
0x95: {  	_ =	strace s4  }
0x96: {  	s4 =	sld [smem:$0x3FFD];
	_ =	sdelay $0x3  }
0x97: {  	_ =	strace s4  }
0x98: {  	_ =	strace $0x8FFFFFFF  }
0x99: {  	s19 =	sld [smem:$0x3FDB];
	_ =	sdelay $0x1  }
0x9a: {  	s5 =	simm.s32 $_scs_section_size  }
0x9b: {  	s6 =	simm.s32 $_size__tile_overlayer_lowered;
	s7 =	simm.s32 $_tile_overlayer_lowered  }
0x9c: {  	s22 =	simm.s32 $0x1BFF;
	s21 =	sshll.u32 s7, $0x1;
	s4 =	sadd.s32 s5, s19  }
0x9d: {  	s8 =	simm.s32 $0x0;
	s20 =	sshll.u32 s6, $0x1;
	s6 =	sadd.s32 s21, s4  }
0x9e: {  	[timem:s8], [sflag:s22] =	dma.local [hbm:s6], s20  }
0x9f: {  	_ =	swait.ge [sflag:s22], s20  }
0xa0: {  	s5 =	ssub.s32 $0x0, s20;
	[sflag:s22] =	ssyncset.done $0x0  }
0xa1: {  	[sflag:s22] =	ssyncadd.s32 s5;
	_ =	sdelay $0x1  }
0xa2: {  	s23 =	simm.s32 $0x1B8B  }
0xa3: {  	_ =	swait.ge [sflag:s23], $0x1  }
0xa4: {  	[sflag:s23] =	ssyncset.done $0x0  }
0xa5: {  	s25 =	simm.s32 $0x1B8E;
	s24 =	sld [smem:$0x3FFE];
	[sflag:s23] =	ssyncadd.s32 $0xFFFFFFFF  }
0xa6: {  	s26 =	simm.s32 $execute0_lowered;
	[smem:$0x3FD2] =	sst s25  }
0xa7: {  	s6 =	sshll.u32 s26, $0x1;
	_ =	strace $0x80000046;
	[dreg:$0x1] =	wrdreg $0xFFFFFFFF  }
0xa8: {  	s28 =	simm.s32 $_size_execute0_lowered;
	s4 =	sadd.s32 s4, s6;
	[dreg:$0x0] =	wrdreg $0x0  }
0xa9: {  	s6 =	sshll.u32 s28, $0x1;
	[dreg:$0x2] =	wrdreg s4  }
0xaa: {  	[dreg:$0x3] =	wrdreg s6  }
0xab: {  	[dreg:$0x4] =	wrdreg $0xC0  }
0xac: {  	_ =	task [dreg:s8], $0x5FFFF  }
0xad: {  	[dreg:$0x1] =	wrdreg $0xFFFFFFFF  }
0xae: {  	[dreg:$0x0] =	wrdreg $0x60  }
0xaf: {  	[dreg:$0x2] =	wrdreg s2  }
0xb0: {  	[dreg:$0x3] =	wrdreg s18  }
0xb1: {  	[dreg:$0x4] =	wrdreg s24  }
0xb2: {  	[dreg:$0x5] =	wrdreg $0x9  }
0xb3: {  	_ =	task.clear_ibuf [dreg:s8], $0x6FFFF;
	_ =	strace $0x90000046  }
0xb4: {  	s29 =	simm.s32 $0x9;
	_ =	strace $0x80000048  }
0xb5: {  	_ =	swait.ge [sflag:s29], $0x1  }
0xb6: {  	[sflag:s29] =	ssyncadd.s32 $0xFFFFFFFF  }
0xb7: {  	_ =	strace $0x90000048  }
0xb8: {  	_ =	sfence  }
0xb9: {  	s30 =	sld [smem:$0x0];
	_ =	sdelay $0x2  }
0xba: {  	s31 =	sshll.u32 s1, $0xD;
	s1 =	sshrl.u32 s1, $0x2  }
0xbb: {  	s3 =	sand.u32 $0x4000, s31;
	s1 =	sadd.s32 s1, s30  }
0xbc: {  	s0 =	sor.u32 s3, s0;
	s1 =	sshll.u32 s1, $0x11  }
0xbd: {  	s0 =	sor.u32 s1, s0  }
0xbe: {  	s0 =	sadd.s32 $0x8F2B, s0  }
0xbf: {  	[sflag:s0] =	ssyncadd.remote.s32 $0x1  }
0xc0: {  	_ =	sfence.sel $0xFFFF  }
0xc1: {  	[dreg:$0x0] =	wrdreg $0xFFFFFFFF;
	(pc) =	sbr.abs _section_cstart, $3  }
0xc2: {  	[dreg:$0x1] =	wrdreg $0xFFFFFFFF  }
0xc3: {  	_ =	task.clear_ibuf [dreg:s8], $0x2FFFF;
	_ =	strace $0x9FFFFFFF  }
0xc4: {  	(tm) =	ssettm $0x7FFFFFFF  }
0xc5: {  	_ =	shalt  }
tec
execute0_lowered:
.L_overlay_start_1:
0x0: {  	(tag) =	ssettag $0x1  }
0x1: {  	s4 =	rddreg [dreg:$0x0]  }
0x2: {  	s1 =	rddreg [dreg:$0x1]  }
0x3: {  	s5 =	rddreg [dreg:$0x2]  }
0x4: {  	s0 =	rddreg [dreg:$0x3]  }
0x5: {  	s3 =	simm.s32 $0x0;
	s6 =	srdreg.scid;
	s2 =	stileid.u32  }
0x6: {  	s10 =	simm.s32 $0x200;
	s11 =	simm.s32 $0x4200;
	s12 =	simm.s32 $0x100  }
0x7: {  	s13 =	simm.s32 $0x8200;
	s14 =	simm.s32 $0x1;
	s15 =	simm.s32 $0x180  }
0x8: {  	s16 =	simm.s32 $0x2;
	s17 =	simm.s32 $0x3;
	s18 =	simm.s32 $0xC200  }
0x9: {  	[smem:$0x7FF] =	sst s3;
	s6 =	sand.u32 $0x1, s6;
	s7 =	sshll.u32 s2, $0x1  }
0xa: {  	s19 =	simm.s32 $0x0;
	_ =	strace $0x80000047;
	s7 =	sor.u32 s6, s7  }
0xb: {  	s6 =	ssub.s32 $0x2, s6;
	s8 =	sshll.u32 s7, $0x4;
	s7 =	sshll.u32 s7, $0x6  }
0xc: {  	s9 =	sshrl.u32 s6, $0x1;
	s8 =	sadd.s32 s8, s5;
	s4 =	sadd.s32 s4, s7  }
0xd: {  	s9 =	ssub.s32 s6, s9;
	s5 =	sadd.s32 $0x10, s4;
	s6 =	sadd.s32 $0xE00, s8  }
0xe: {  	s7 =	smax.u32 s9, $0x1;
	s8 =	simm.s32 $0x4;
	s9 =	simm.s32 $0x80  }
.LBB2_1:
0xf: {  	[tilespmem:s3], [sflag:$0x4] =	stream.linear.gather [hbm4b:s4+s3], $0x80, $0x38;
	[tilespmem:$0xC280] =	vst v63  }
0x10: {  	_ =	swait.ge [sflag:s8], $0x80  }
0x11: {  	[sflag:s8] =	ssyncset.done $0x0  }
0x12: {  	[sflag:s8] =	ssyncadd.s32 $0xFFFFFF80  }
0x13: {  	[tilespmem:s10], [sflag:$0x1] =	stream.indirect.gather [hbm4b:s1+s9], $0x80, s3, s9, $0xb8;
	[tilespmem:$0xC280] =	vst v63  }
0x14: {  	_ = 	snop  }
0x15: {  	[tilespmem:s9], [sflag:$0x4] =	stream.linear.gather [hbm4b:s5+s3], $0x180, $0x38;
	[tilespmem:$0xC280] =	vst v63  }
0x16: {  	_ =	swait.ge [sflag:s8], $0x180  }
0x17: {  	[sflag:s8] =	ssyncset.done $0x0  }
0x18: {  	[sflag:s8] =	ssyncadd.s32 $0xFFFFFE80  }
0x19: {  	[tilespmem:s11], [sflag:$0x2] =	stream.indirect.gather [hbm4b:s1+s9], $0x80, s9, s9, $0xb8;
	[tilespmem:$0xC280] =	vst v63  }
0x1a: {  	_ = 	snop  }
0x1b: {  	[tilespmem:s13], [sflag:$0x3] =	stream.indirect.gather [hbm4b:s1+s9], $0x80, s12, s9, $0xb8;
	[tilespmem:$0xC280] =	vst v63  }
0x1c: {  	_ =	swait.ge [sflag:s14], $0x4000  }
0x1d: {  	[sflag:s14] =	ssyncset.done $0x0  }
0x1e: {  	s21 =	simm.s32 $0x300;
	[sflag:s14] =	ssyncadd.s32 $0xFFFFC000  }
0x1f: {  	v0 =	vld [tilespmem:s21+$0x80]  }
0x20: {  	v2 =	vld [tilespmem:s21+$0x90]  }
0x21: {  	v4 =	vld [tilespmem:s21+$0xA0]  }
0x22: {  	v6 =	vld [tilespmem:s21+$0xB0]  }
0x23: {  	v1 =	vld [tilespmem:s21+$0xC0]  }
0x24: {  	v3 =	vld [tilespmem:s21+$0xD0]  }
0x25: {  	v8 =	vld [tilespmem:s21+$0x0]  }
0x26: {  	v9 =	vld [tilespmem:s21+$0x10]  }
0x27: {  	v10 =	vld [tilespmem:s21+$0x20]  }
0x28: {  	v11 =	vld [tilespmem:s21+$0x30]  }
0x29: {  	v5 =	vld [tilespmem:s21+$0x40]  }
0x2a: {  	v7 =	vld [tilespmem:s21+$0x50]  }
0x2b: {  	v12 =	vld [tilespmem:s21+$0xFFFFFF80]  }
0x2c: {  	v13 =	vld [tilespmem:s21+$0xFFFFFF90]  }
0x2d: {  	v14 =	vld [tilespmem:s21+$0xFFFFFF00]  }
0x2e: {  	v15 =	vld [tilespmem:s21+$0xFFFFFF10]  }
0x2f: {  	v16 =	vld [tilespmem:s21+$0xFFFFFF20]  }
0x30: {  	v17 =	vld [tilespmem:s21+$0xFFFFFF30]  }
0x31: {  	v18 =	vld [tilespmem:s21+$0xFFFFFFA0]  }
0x32: {  	v19 =	vld [tilespmem:s21+$0xFFFFFFB0]  }
0x33: {  	v20 =	vimm.f32 $0.0e+00;
	v21 =	vld [tilespmem:s21+$0xFFFFFFC0]  }
0x34: {  	v22 =	vld [tilespmem:s21+$0xFFFFFFD0];
	v14 =	vadd.f32 v14, v20;
	v15 =	vadd.f32 v15, v20  }
0x35: {  	v23 =	vld [tilespmem:s21+$0xFFFFFF40];
	v16 =	vadd.f32 v16, v20;
	v17 =	vadd.f32 v17, v20  }
0x36: {  	v24 =	vld [tilespmem:s21+$0xFFFFFF50];
	v12 =	vadd.f32 v12, v14;
	v13 =	vadd.f32 v13, v15  }
0x37: {  	v14 =	vld [tilespmem:s21+$0xFFFFFF60];
	v15 =	vadd.f32 v18, v16;
	v16 =	vadd.f32 v19, v17  }
0x38: {  	v17 =	vld [tilespmem:s21+$0xFFFFFF70];
	v8 =	vadd.f32 v8, v12;
	v9 =	vadd.f32 v9, v13  }
0x39: {  	v12 =	vld [tilespmem:s21+$0xFFFFFFE0];
	v10 =	vadd.f32 v10, v15;
	v11 =	vadd.f32 v11, v16  }
0x3a: {  	v15 =	vld [tilespmem:s21+$0xFFFFFFF0];
	v8 =	vadd.f32 v0, v8;
	v9 =	vadd.f32 v2, v9  }
0x3b: {  	v13 =	vld [tilespmem:s21+$0x60];
	v10 =	vadd.f32 v4, v10;
	v11 =	vadd.f32 v6, v11  }
0x3c: {  	v16 =	vld [tilespmem:s21+$0x70];
	v0 =	vadd.f32 v23, v20;
	v2 =	vadd.f32 v24, v20  }
0x3d: {  	v18 =	vadd.f32 v14, v20;
	v19 =	vadd.f32 v17, v20;
	v14 =	vld [tilespmem:s21+$0xE0]  }
0x3e: {  	s20 =	simm.s32 $0x0;
	v17 =	vld [tilespmem:s21+$0xF0];
	s21 =	simm.s32 $0x500;
	v20 =	vadd.f32 v21, v0;
	v21 =	vadd.f32 v22, v2  }
.LBB2_2:
0x3f: {  	v0 =	vld [tilespmem:s21+$0x80];
	v2 =	vadd.f32 v12, v18;
	v4 =	vadd.f32 v15, v19  }
0x40: {  	v6 =	vld [tilespmem:s21+$0x90];
	v5 =	vadd.f32 v5, v20;
	v7 =	vadd.f32 v7, v21  }
0x41: {  	v18 =	vld [tilespmem:s21+$0xA0];
	v2 =	vadd.f32 v13, v2;
	v4 =	vadd.f32 v16, v4  }
0x42: {  	v16 =	vld [tilespmem:s21+$0xB0];
	v19 =	vadd.f32 v1, v5;
	v20 =	vadd.f32 v3, v7  }
0x43: {  	v1 =	vld [tilespmem:s21+$0xC0];
	v2 =	vadd.f32 v14, v2;
	v4 =	vadd.f32 v17, v4  }
0x44: {  	v3 =	vld [tilespmem:s21+$0xD0]  }
0x45: {  	v12 =	vld [tilespmem:s21+$0x0]  }
0x46: {  	v13 =	vld [tilespmem:s21+$0x10]  }
0x47: {  	v14 =	vld [tilespmem:s21+$0x20]  }
0x48: {  	v15 =	vld [tilespmem:s21+$0x30]  }
0x49: {  	v5 =	vld [tilespmem:s21+$0x40]  }
0x4a: {  	v7 =	vld [tilespmem:s21+$0x50]  }
0x4b: {  	v17 =	vld [tilespmem:s21+$0xFFFFFF80]  }
0x4c: {  	v21 =	vld [tilespmem:s21+$0xFFFFFF90]  }
0x4d: {  	v22 =	vld [tilespmem:s21+$0xFFFFFF00]  }
0x4e: {  	v23 =	vld [tilespmem:s21+$0xFFFFFF10]  }
0x4f: {  	v24 =	vld [tilespmem:s21+$0xFFFFFF20]  }
0x50: {  	v25 =	vld [tilespmem:s21+$0xFFFFFF30]  }
0x51: {  	v26 =	vld [tilespmem:s21+$0xFFFFFFA0]  }
0x52: {  	v27 =	vld [tilespmem:s21+$0xFFFFFFB0]  }
0x53: {  	v28 =	vld [tilespmem:s21+$0xFFFFFFC0]  }
0x54: {  	v8 =	vadd.f32 v22, v8;
	v9 =	vadd.f32 v23, v9;
	v22 =	vld [tilespmem:s21+$0xFFFFFFD0]  }
0x55: {  	v10 =	vadd.f32 v24, v10;
	v11 =	vadd.f32 v25, v11;
	v23 =	vld [tilespmem:s21+$0xFFFFFF40]  }
0x56: {  	v8 =	vadd.f32 v17, v8;
	v9 =	vadd.f32 v21, v9;
	v24 =	vld [tilespmem:s21+$0xFFFFFF50]  }
0x57: {  	v10 =	vadd.f32 v26, v10;
	v17 =	vld [tilespmem:s21+$0xFFFFFF60];
	v11 =	vadd.f32 v27, v11  }
0x58: {  	s20 =	sadd.s32 $0x4, s20;
	v8 =	vadd.f32 v12, v8;
	v9 =	vadd.f32 v13, v9;
	v21 =	vld [tilespmem:s21+$0xFFFFFF70]  }
0x59: {  	p0 =	slt.u32 s20, $0x7C;
	v10 =	vadd.f32 v14, v10;
	v12 =	vld [tilespmem:s21+$0xFFFFFFE0];
	v11 =	vadd.f32 v15, v11  }
.Ltmp0:
0x5a: {  	v8 =	vadd.f32 v0, v8;
	v9 =	vadd.f32 v6, v9;
	v15 =	vld [tilespmem:s21+$0xFFFFFFF0];
	(pc) =	sbr.rel @p0 .LBB2_2-.Ltmp0, $4  }
0x5b: {  	v10 =	vadd.f32 v18, v10;
	v13 =	vld [tilespmem:s21+$0x60];
	v11 =	vadd.f32 v16, v11  }
0x5c: {  	v0 =	vadd.f32 v23, v19;
	v6 =	vadd.f32 v24, v20;
	v16 =	vld [tilespmem:s21+$0x70]  }
0x5d: {  	v18 =	vadd.f32 v17, v2;
	v19 =	vadd.f32 v21, v4;
	v14 =	vld [tilespmem:s21+$0xE0]  }
0x5e: {  	v20 =	vadd.f32 v28, v0;
	v21 =	vadd.f32 v22, v6;
	v17 =	vld [tilespmem:s21+$0xF0];
	s21 =	sadd.s32 $0x200, s21  }
0x5f: {  	[tilespmem:s10], [sflag:$0x1] =	stream.indirect.gather [hbm4b:s1+s9], $0x80, s15, s9, $0xb8;
	[tilespmem:$0xC280] =	vst v63  }
0x60: {  	_ =	swait.ge [sflag:s16], $0x4000  }
0x61: {  	[sflag:s16] =	ssyncset.done $0x0  }
0x62: {  	s21 =	simm.s32 $0x4300;
	[sflag:s16] =	ssyncadd.s32 $0xFFFFC000  }
0x63: {  	v22 =	vld [tilespmem:s21+$0x80]  }
0x64: {  	v23 =	vld [tilespmem:s21+$0x90]  }
0x65: {  	v24 =	vld [tilespmem:s21+$0xA0]  }
0x66: {  	v25 =	vld [tilespmem:s21+$0xB0]  }
0x67: {  	v0 =	vld [tilespmem:s21+$0xC0]  }
0x68: {  	v2 =	vld [tilespmem:s21+$0xD0]  }
0x69: {  	v26 =	vld [tilespmem:s21+$0x0]  }
0x6a: {  	v27 =	vld [tilespmem:s21+$0x10]  }
0x6b: {  	v28 =	vld [tilespmem:s21+$0x20]  }
0x6c: {  	v29 =	vld [tilespmem:s21+$0x30]  }
0x6d: {  	v4 =	vld [tilespmem:s21+$0x40]  }
0x6e: {  	v6 =	vld [tilespmem:s21+$0x50]  }
0x6f: {  	v30 =	vld [tilespmem:s21+$0xFFFFFF80]  }
0x70: {  	v31 =	vld [tilespmem:s21+$0xFFFFFF90]  }
0x71: {  	v32 =	vld [tilespmem:s21+$0xFFFFFF00]  }
0x72: {  	v33 =	vld [tilespmem:s21+$0xFFFFFF10]  }
0x73: {  	v12 =	vadd.f32 v12, v18;
	v15 =	vadd.f32 v15, v19;
	v18 =	vld [tilespmem:s21+$0xFFFFFF20]  }
0x74: {  	v5 =	vadd.f32 v5, v20;
	v7 =	vadd.f32 v7, v21;
	v19 =	vld [tilespmem:s21+$0xFFFFFF30]  }
0x75: {  	v12 =	vadd.f32 v13, v12;
	v13 =	vadd.f32 v16, v15;
	v16 =	vld [tilespmem:s21+$0xFFFFFF40]  }
0x76: {  	v1 =	vadd.f32 v1, v5;
	v3 =	vadd.f32 v3, v7;
	v15 =	vld [tilespmem:s21+$0xFFFFFFA0]  }
0x77: {  	v5 =	vld [tilespmem:s21+$0xFFFFFFB0];
	v7 =	vadd.f32 v14, v12;
	v14 =	vadd.f32 v17, v13  }
0x78: {  	v20 =	vld [tilespmem:s21+$0xFFFFFF70];
	v8 =	vadd.f32 v32, v8;
	v9 =	vadd.f32 v33, v9  }
0x79: {  	v10 =	vadd.f32 v18, v10;
	v11 =	vadd.f32 v19, v11;
	v18 =	vld [tilespmem:s21+$0xFFFFFF50]  }
0x7a: {  	v19 =	vld [tilespmem:s21+$0xFFFFFF60];
	v1 =	vadd.f32 v16, v1;
	v8 =	vadd.f32 v30, v8  }
0x7b: {  	v17 =	vld [tilespmem:s21+$0xFFFFFFC0];
	v9 =	vadd.f32 v31, v9;
	v10 =	vadd.f32 v15, v10  }
0x7c: {  	v21 =	vld [tilespmem:s21+$0xFFFFFFD0];
	v5 =	vadd.f32 v5, v11;
	v8 =	vadd.f32 v26, v8  }
0x7d: {  	v12 =	vld [tilespmem:s21+$0xFFFFFFE0];
	v9 =	vadd.f32 v27, v9;
	v10 =	vadd.f32 v28, v10  }
0x7e: {  	v15 =	vld [tilespmem:s21+$0xFFFFFFF0];
	v5 =	vadd.f32 v29, v5;
	v3 =	vadd.f32 v18, v3  }
0x7f: {  	v13 =	vld [tilespmem:s21+$0x60];
	v18 =	vadd.f32 v19, v7;
	v19 =	vadd.f32 v20, v14  }
0x80: {  	v16 =	vld [tilespmem:s21+$0x70];
	v20 =	vadd.f32 v17, v1;
	v8 =	vadd.f32 v22, v8  }
0x81: {  	v14 =	vld [tilespmem:s21+$0xE0];
	v9 =	vadd.f32 v23, v9;
	v10 =	vadd.f32 v24, v10  }
0x82: {  	s20 =	simm.s32 $0x0;
	v17 =	vld [tilespmem:s21+$0xF0];
	s21 =	simm.s32 $0x4500;
	v11 =	vadd.f32 v25, v5;
	v21 =	vadd.f32 v21, v3  }
.LBB2_4:
0x83: {  	v1 =	vld [tilespmem:s21+$0x80];
	v3 =	vadd.f32 v12, v18;
	v5 =	vadd.f32 v15, v19  }
0x84: {  	v7 =	vld [tilespmem:s21+$0x90];
	v4 =	vadd.f32 v4, v20;
	v6 =	vadd.f32 v6, v21  }
0x85: {  	v18 =	vld [tilespmem:s21+$0xA0];
	v3 =	vadd.f32 v13, v3;
	v5 =	vadd.f32 v16, v5  }
0x86: {  	v16 =	vld [tilespmem:s21+$0xB0];
	v19 =	vadd.f32 v0, v4;
	v20 =	vadd.f32 v2, v6  }
0x87: {  	v0 =	vld [tilespmem:s21+$0xC0];
	v3 =	vadd.f32 v14, v3;
	v5 =	vadd.f32 v17, v5  }
0x88: {  	v2 =	vld [tilespmem:s21+$0xD0]  }
0x89: {  	v12 =	vld [tilespmem:s21+$0x0]  }
0x8a: {  	v13 =	vld [tilespmem:s21+$0x10]  }
0x8b: {  	v14 =	vld [tilespmem:s21+$0x20]  }
0x8c: {  	v15 =	vld [tilespmem:s21+$0x30]  }
0x8d: {  	v4 =	vld [tilespmem:s21+$0x40]  }
0x8e: {  	v6 =	vld [tilespmem:s21+$0x50]  }
0x8f: {  	v17 =	vld [tilespmem:s21+$0xFFFFFF80]  }
0x90: {  	v21 =	vld [tilespmem:s21+$0xFFFFFF90]  }
0x91: {  	v22 =	vld [tilespmem:s21+$0xFFFFFF00]  }
0x92: {  	v23 =	vld [tilespmem:s21+$0xFFFFFF10]  }
0x93: {  	v24 =	vld [tilespmem:s21+$0xFFFFFF20]  }
0x94: {  	v25 =	vld [tilespmem:s21+$0xFFFFFF30]  }
0x95: {  	v26 =	vld [tilespmem:s21+$0xFFFFFFA0]  }
0x96: {  	v27 =	vld [tilespmem:s21+$0xFFFFFFB0]  }
0x97: {  	v28 =	vld [tilespmem:s21+$0xFFFFFFC0]  }
0x98: {  	v8 =	vadd.f32 v22, v8;
	v9 =	vadd.f32 v23, v9;
	v22 =	vld [tilespmem:s21+$0xFFFFFFD0]  }
0x99: {  	v10 =	vadd.f32 v24, v10;
	v11 =	vadd.f32 v25, v11;
	v23 =	vld [tilespmem:s21+$0xFFFFFF40]  }
0x9a: {  	v8 =	vadd.f32 v17, v8;
	v9 =	vadd.f32 v21, v9;
	v24 =	vld [tilespmem:s21+$0xFFFFFF50]  }
0x9b: {  	v10 =	vadd.f32 v26, v10;
	v17 =	vld [tilespmem:s21+$0xFFFFFF60];
	v11 =	vadd.f32 v27, v11  }
0x9c: {  	s20 =	sadd.s32 $0x4, s20;
	v8 =	vadd.f32 v12, v8;
	v9 =	vadd.f32 v13, v9;
	v21 =	vld [tilespmem:s21+$0xFFFFFF70]  }
0x9d: {  	p0 =	slt.u32 s20, $0x7C;
	v10 =	vadd.f32 v14, v10;
	v12 =	vld [tilespmem:s21+$0xFFFFFFE0];
	v11 =	vadd.f32 v15, v11  }
.Ltmp1:
0x9e: {  	v8 =	vadd.f32 v1, v8;
	v9 =	vadd.f32 v7, v9;
	v15 =	vld [tilespmem:s21+$0xFFFFFFF0];
	(pc) =	sbr.rel @p0 .LBB2_4-.Ltmp1, $4  }
0x9f: {  	v10 =	vadd.f32 v18, v10;
	v13 =	vld [tilespmem:s21+$0x60];
	v11 =	vadd.f32 v16, v11  }
0xa0: {  	v1 =	vadd.f32 v23, v19;
	v7 =	vadd.f32 v24, v20;
	v16 =	vld [tilespmem:s21+$0x70]  }
0xa1: {  	v18 =	vadd.f32 v17, v3;
	v19 =	vadd.f32 v21, v5;
	v14 =	vld [tilespmem:s21+$0xE0]  }
0xa2: {  	v20 =	vadd.f32 v28, v1;
	v21 =	vadd.f32 v22, v7;
	v17 =	vld [tilespmem:s21+$0xF0];
	s21 =	sadd.s32 $0x200, s21  }
0xa3: {  	_ =	swait.ge [sflag:s17], $0x4000  }
0xa4: {  	[sflag:s17] =	ssyncset.done $0x0  }
0xa5: {  	s21 =	simm.s32 $0x8300;
	[sflag:s17] =	ssyncadd.s32 $0xFFFFC000  }
0xa6: {  	v22 =	vld [tilespmem:s21+$0x80]  }
0xa7: {  	v23 =	vld [tilespmem:s21+$0x90]  }
0xa8: {  	v24 =	vld [tilespmem:s21+$0xA0]  }
0xa9: {  	v25 =	vld [tilespmem:s21+$0xB0]  }
0xaa: {  	v1 =	vld [tilespmem:s21+$0xC0]  }
0xab: {  	v3 =	vld [tilespmem:s21+$0xD0]  }
0xac: {  	v26 =	vld [tilespmem:s21+$0x0]  }
0xad: {  	v27 =	vld [tilespmem:s21+$0x10]  }
0xae: {  	v28 =	vld [tilespmem:s21+$0x20]  }
0xaf: {  	v29 =	vld [tilespmem:s21+$0x30]  }
0xb0: {  	v5 =	vld [tilespmem:s21+$0x40]  }
0xb1: {  	v7 =	vld [tilespmem:s21+$0x50]  }
0xb2: {  	v30 =	vld [tilespmem:s21+$0xFFFFFF80]  }
0xb3: {  	v31 =	vld [tilespmem:s21+$0xFFFFFF90]  }
0xb4: {  	v32 =	vld [tilespmem:s21+$0xFFFFFF00]  }
0xb5: {  	v33 =	vld [tilespmem:s21+$0xFFFFFF10]  }
0xb6: {  	v12 =	vadd.f32 v12, v18;
	v15 =	vadd.f32 v15, v19;
	v18 =	vld [tilespmem:s21+$0xFFFFFF20]  }
0xb7: {  	v4 =	vadd.f32 v4, v20;
	v6 =	vadd.f32 v6, v21;
	v19 =	vld [tilespmem:s21+$0xFFFFFF30]  }
0xb8: {  	v12 =	vadd.f32 v13, v12;
	v13 =	vadd.f32 v16, v15;
	v16 =	vld [tilespmem:s21+$0xFFFFFF40]  }
0xb9: {  	v15 =	vld [tilespmem:s21+$0xFFFFFFA0];
	v0 =	vadd.f32 v0, v4;
	v2 =	vadd.f32 v2, v6  }
0xba: {  	v4 =	vld [tilespmem:s21+$0xFFFFFFB0];
	v6 =	vadd.f32 v14, v12;
	v14 =	vadd.f32 v17, v13  }
0xbb: {  	v20 =	vld [tilespmem:s21+$0xFFFFFF70];
	v8 =	vadd.f32 v32, v8;
	v9 =	vadd.f32 v33, v9  }
0xbc: {  	v10 =	vadd.f32 v18, v10;
	v11 =	vadd.f32 v19, v11;
	v18 =	vld [tilespmem:s21+$0xFFFFFF50]  }
0xbd: {  	v19 =	vld [tilespmem:s21+$0xFFFFFF60];
	v0 =	vadd.f32 v16, v0;
	v8 =	vadd.f32 v30, v8  }
0xbe: {  	v17 =	vld [tilespmem:s21+$0xFFFFFFC0];
	v9 =	vadd.f32 v31, v9;
	v10 =	vadd.f32 v15, v10  }
0xbf: {  	v21 =	vld [tilespmem:s21+$0xFFFFFFD0];
	v4 =	vadd.f32 v4, v11;
	v8 =	vadd.f32 v26, v8  }
0xc0: {  	v12 =	vld [tilespmem:s21+$0xFFFFFFE0];
	v9 =	vadd.f32 v27, v9;
	v10 =	vadd.f32 v28, v10  }
0xc1: {  	v15 =	vld [tilespmem:s21+$0xFFFFFFF0];
	v4 =	vadd.f32 v29, v4;
	v2 =	vadd.f32 v18, v2  }
0xc2: {  	v13 =	vld [tilespmem:s21+$0x60];
	v18 =	vadd.f32 v19, v6;
	v19 =	vadd.f32 v20, v14  }
0xc3: {  	v16 =	vld [tilespmem:s21+$0x70];
	v20 =	vadd.f32 v17, v0;
	v8 =	vadd.f32 v22, v8  }
0xc4: {  	v14 =	vld [tilespmem:s21+$0xE0];
	v9 =	vadd.f32 v23, v9;
	v10 =	vadd.f32 v24, v10  }
0xc5: {  	s20 =	simm.s32 $0x0;
	v17 =	vld [tilespmem:s21+$0xF0];
	s21 =	simm.s32 $0x8500;
	v11 =	vadd.f32 v25, v4;
	v21 =	vadd.f32 v21, v2  }
.LBB2_6:
0xc6: {  	v0 =	vld [tilespmem:s21+$0x80];
	v2 =	vadd.f32 v12, v18;
	v4 =	vadd.f32 v15, v19  }
0xc7: {  	v6 =	vld [tilespmem:s21+$0x90];
	v5 =	vadd.f32 v5, v20;
	v7 =	vadd.f32 v7, v21  }
0xc8: {  	v18 =	vld [tilespmem:s21+$0xA0];
	v2 =	vadd.f32 v13, v2;
	v4 =	vadd.f32 v16, v4  }
0xc9: {  	v16 =	vld [tilespmem:s21+$0xB0];
	v19 =	vadd.f32 v1, v5;
	v20 =	vadd.f32 v3, v7  }
0xca: {  	v1 =	vld [tilespmem:s21+$0xC0];
	v2 =	vadd.f32 v14, v2;
	v4 =	vadd.f32 v17, v4  }
0xcb: {  	v3 =	vld [tilespmem:s21+$0xD0]  }
0xcc: {  	v12 =	vld [tilespmem:s21+$0x0]  }
0xcd: {  	v13 =	vld [tilespmem:s21+$0x10]  }
0xce: {  	v14 =	vld [tilespmem:s21+$0x20]  }
0xcf: {  	v15 =	vld [tilespmem:s21+$0x30]  }
0xd0: {  	v5 =	vld [tilespmem:s21+$0x40]  }
0xd1: {  	v7 =	vld [tilespmem:s21+$0x50]  }
0xd2: {  	v17 =	vld [tilespmem:s21+$0xFFFFFF80]  }
0xd3: {  	v21 =	vld [tilespmem:s21+$0xFFFFFF90]  }
0xd4: {  	v22 =	vld [tilespmem:s21+$0xFFFFFF00]  }
0xd5: {  	v23 =	vld [tilespmem:s21+$0xFFFFFF10]  }
0xd6: {  	v24 =	vld [tilespmem:s21+$0xFFFFFF20]  }
0xd7: {  	v25 =	vld [tilespmem:s21+$0xFFFFFF30]  }
0xd8: {  	v26 =	vld [tilespmem:s21+$0xFFFFFFA0]  }
0xd9: {  	v27 =	vld [tilespmem:s21+$0xFFFFFFB0]  }
0xda: {  	v28 =	vld [tilespmem:s21+$0xFFFFFFC0]  }
0xdb: {  	v8 =	vadd.f32 v22, v8;
	v9 =	vadd.f32 v23, v9;
	v22 =	vld [tilespmem:s21+$0xFFFFFFD0]  }
0xdc: {  	v10 =	vadd.f32 v24, v10;
	v11 =	vadd.f32 v25, v11;
	v23 =	vld [tilespmem:s21+$0xFFFFFF40]  }
0xdd: {  	v8 =	vadd.f32 v17, v8;
	v9 =	vadd.f32 v21, v9;
	v24 =	vld [tilespmem:s21+$0xFFFFFF50]  }
0xde: {  	v10 =	vadd.f32 v26, v10;
	v17 =	vld [tilespmem:s21+$0xFFFFFF60];
	v11 =	vadd.f32 v27, v11  }
0xdf: {  	s20 =	sadd.s32 $0x4, s20;
	v8 =	vadd.f32 v12, v8;
	v9 =	vadd.f32 v13, v9;
	v21 =	vld [tilespmem:s21+$0xFFFFFF70]  }
0xe0: {  	p0 =	slt.u32 s20, $0x7C;
	v10 =	vadd.f32 v14, v10;
	v12 =	vld [tilespmem:s21+$0xFFFFFFE0];
	v11 =	vadd.f32 v15, v11  }
.Ltmp2:
0xe1: {  	v8 =	vadd.f32 v0, v8;
	v9 =	vadd.f32 v6, v9;
	v15 =	vld [tilespmem:s21+$0xFFFFFFF0];
	(pc) =	sbr.rel @p0 .LBB2_6-.Ltmp2, $4  }
0xe2: {  	v10 =	vadd.f32 v18, v10;
	v13 =	vld [tilespmem:s21+$0x60];
	v11 =	vadd.f32 v16, v11  }
0xe3: {  	v0 =	vadd.f32 v23, v19;
	v6 =	vadd.f32 v24, v20;
	v16 =	vld [tilespmem:s21+$0x70]  }
0xe4: {  	v18 =	vadd.f32 v17, v2;
	v19 =	vadd.f32 v21, v4;
	v14 =	vld [tilespmem:s21+$0xE0]  }
0xe5: {  	v20 =	vadd.f32 v28, v0;
	v21 =	vadd.f32 v22, v6;
	v17 =	vld [tilespmem:s21+$0xF0];
	s21 =	sadd.s32 $0x200, s21  }
0xe6: {  	_ =	swait.ge [sflag:s14], $0x4000  }
0xe7: {  	[sflag:s14] =	ssyncset.done $0x0  }
0xe8: {  	s21 =	simm.s32 $0x300;
	[sflag:s14] =	ssyncadd.s32 $0xFFFFC000  }
0xe9: {  	v22 =	vld [tilespmem:s21+$0x80]  }
0xea: {  	v23 =	vld [tilespmem:s21+$0x90]  }
0xeb: {  	v24 =	vld [tilespmem:s21+$0xA0]  }
0xec: {  	v25 =	vld [tilespmem:s21+$0xB0]  }
0xed: {  	v0 =	vld [tilespmem:s21+$0xC0]  }
0xee: {  	v2 =	vld [tilespmem:s21+$0xD0]  }
0xef: {  	v26 =	vld [tilespmem:s21+$0x0]  }
0xf0: {  	v27 =	vld [tilespmem:s21+$0x10]  }
0xf1: {  	v28 =	vld [tilespmem:s21+$0x20]  }
0xf2: {  	v29 =	vld [tilespmem:s21+$0x30]  }
0xf3: {  	v6 =	vld [tilespmem:s21+$0x40]  }
0xf4: {  	v4 =	vld [tilespmem:s21+$0x50]  }
0xf5: {  	v30 =	vld [tilespmem:s21+$0xFFFFFF80]  }
0xf6: {  	v31 =	vld [tilespmem:s21+$0xFFFFFF90]  }
0xf7: {  	v12 =	vadd.f32 v12, v18;
	v32 =	vld [tilespmem:s21+$0xFFFFFF00]  }
0xf8: {  	v33 =	vld [tilespmem:s21+$0xFFFFFF10]  }
0xf9: {  	v15 =	vadd.f32 v15, v19;
	v12 =	vadd.f32 v13, v12;
	v18 =	vld [tilespmem:s21+$0xFFFFFF20]  }
0xfa: {  	v5 =	vadd.f32 v5, v20;
	v7 =	vadd.f32 v7, v21;
	v19 =	vld [tilespmem:s21+$0xFFFFFF30]  }
0xfb: {  	v13 =	vadd.f32 v16, v15;
	v14 =	vadd.f32 v14, v12;
	v12 =	vld [tilespmem:s21+$0xFFFFFF50]  }
0xfc: {  	v15 =	vld [tilespmem:s21+$0xFFFFFFA0];
	v16 =	vadd.f32 v1, v5  }
0xfd: {  	v62 =	vadd.f32 v3, v7;
	v1 =	vld [tilespmem:s21+$0xFFFFFFB0];
	v13 =	vadd.f32 v17, v13  }
0xfe: {  	v63 =	vld [tilespmem:s21+$0xFFFFFFD0];
	v3 =	vadd.f32 v32, v8;
	v5 =	vadd.f32 v33, v9  }
0xff: {  	v7 =	vadd.f32 v18, v10;
	v8 =	vadd.f32 v19, v11;
	v11 =	vld [tilespmem:s21+$0xFFFFFF40]  }
0x100: {  	v17 =	vld [tilespmem:s21+$0xFFFFFFC0];
	v20 =	vadd.f32 v12, v62;
	v3 =	vadd.f32 v30, v3  }
0x101: {  	v18 =	vld [tilespmem:s21+$0xFFFFFF60];
	v5 =	vadd.f32 v31, v5;
	v7 =	vadd.f32 v15, v7  }
0x102: {  	v19 =	vld [tilespmem:s21+$0xFFFFFF70];
	v1 =	vadd.f32 v1, v8;
	v3 =	vadd.f32 v26, v3  }
0x103: {  	v10 =	vld [tilespmem:s21+$0xFFFFFFF0];
	v5 =	vadd.f32 v27, v5;
	v15 =	vadd.f32 v28, v7  }
0x104: {  	v8 =	vld [tilespmem:s21+$0xFFFFFFE0];
	v1 =	vadd.f32 v29, v1;
	v16 =	vadd.f32 v11, v16  }
0x105: {  	v9 =	vld [tilespmem:s21+$0x60];
	v7 =	vadd.f32 v22, v3;
	v5 =	vadd.f32 v23, v5  }
0x106: {  	v12 =	vld [tilespmem:s21+$0x70];
	v3 =	vadd.f32 v24, v15;
	v1 =	vadd.f32 v25, v1  }
0x107: {  	v11 =	vld [tilespmem:s21+$0xE0];
	v15 =	vadd.f32 v18, v14;
	v14 =	vadd.f32 v19, v13  }
0x108: {  	s20 =	simm.s32 $0x0;
	v13 =	vld [tilespmem:s21+$0xF0];
	s21 =	simm.s32 $0x500;
	v17 =	vadd.f32 v17, v16;
	v16 =	vadd.f32 v63, v20  }
.LBB2_8:
0x109: {  	v18 =	vld [tilespmem:s21+$0x80];
	v8 =	vadd.f32 v8, v15;
	v10 =	vadd.f32 v10, v14  }
0x10a: {  	v14 =	vld [tilespmem:s21+$0x90];
	v6 =	vadd.f32 v6, v17;
	v4 =	vadd.f32 v4, v16  }
0x10b: {  	v15 =	vld [tilespmem:s21+$0xA0];
	v8 =	vadd.f32 v9, v8;
	v9 =	vadd.f32 v12, v10  }
0x10c: {  	v12 =	vld [tilespmem:s21+$0xB0];
	v16 =	vadd.f32 v0, v6;
	v17 =	vadd.f32 v2, v4  }
0x10d: {  	v0 =	vld [tilespmem:s21+$0xC0];
	v11 =	vadd.f32 v11, v8;
	v13 =	vadd.f32 v13, v9  }
0x10e: {  	v2 =	vld [tilespmem:s21+$0xD0]  }
0x10f: {  	v8 =	vld [tilespmem:s21+$0x0]  }
0x110: {  	v9 =	vld [tilespmem:s21+$0x10]  }
0x111: {  	v10 =	vld [tilespmem:s21+$0x20]  }
0x112: {  	v19 =	vld [tilespmem:s21+$0x30]  }
0x113: {  	v6 =	vld [tilespmem:s21+$0x40]  }
0x114: {  	v4 =	vld [tilespmem:s21+$0x50]  }
0x115: {  	v20 =	vld [tilespmem:s21+$0xFFFFFF80]  }
0x116: {  	v21 =	vld [tilespmem:s21+$0xFFFFFF90]  }
0x117: {  	v22 =	vld [tilespmem:s21+$0xFFFFFF00]  }
0x118: {  	v23 =	vld [tilespmem:s21+$0xFFFFFF10]  }
0x119: {  	v24 =	vld [tilespmem:s21+$0xFFFFFF20]  }
0x11a: {  	v25 =	vld [tilespmem:s21+$0xFFFFFF30]  }
0x11b: {  	v26 =	vld [tilespmem:s21+$0xFFFFFFA0]  }
0x11c: {  	v27 =	vld [tilespmem:s21+$0xFFFFFFB0]  }
0x11d: {  	v28 =	vld [tilespmem:s21+$0xFFFFFFC0]  }
0x11e: {  	v7 =	vadd.f32 v22, v7;
	v5 =	vadd.f32 v23, v5;
	v22 =	vld [tilespmem:s21+$0xFFFFFFD0]  }
0x11f: {  	v3 =	vadd.f32 v24, v3;
	v1 =	vadd.f32 v25, v1;
	v23 =	vld [tilespmem:s21+$0xFFFFFF40]  }
0x120: {  	v7 =	vadd.f32 v20, v7;
	v5 =	vadd.f32 v21, v5;
	v24 =	vld [tilespmem:s21+$0xFFFFFF50]  }
0x121: {  	v3 =	vadd.f32 v26, v3;
	v20 =	vld [tilespmem:s21+$0xFFFFFF60];
	v1 =	vadd.f32 v27, v1  }
0x122: {  	s20 =	sadd.s32 $0x4, s20;
	v7 =	vadd.f32 v8, v7;
	v5 =	vadd.f32 v9, v5;
	v21 =	vld [tilespmem:s21+$0xFFFFFF70]  }
0x123: {  	p0 =	slt.u32 s20, $0x7C;
	v3 =	vadd.f32 v10, v3;
	v8 =	vld [tilespmem:s21+$0xFFFFFFE0];
	v1 =	vadd.f32 v19, v1  }
.Ltmp3:
0x124: {  	v7 =	vadd.f32 v18, v7;
	v5 =	vadd.f32 v14, v5;
	v10 =	vld [tilespmem:s21+$0xFFFFFFF0];
	(pc) =	sbr.rel @p0 .LBB2_8-.Ltmp3, $4  }
0x125: {  	v3 =	vadd.f32 v15, v3;
	v9 =	vld [tilespmem:s21+$0x60];
	v1 =	vadd.f32 v12, v1  }
0x126: {  	v16 =	vadd.f32 v23, v16;
	v18 =	vadd.f32 v24, v17;
	v12 =	vld [tilespmem:s21+$0x70]  }
0x127: {  	v15 =	vadd.f32 v20, v11;
	v14 =	vadd.f32 v21, v13;
	v11 =	vld [tilespmem:s21+$0xE0]  }
0x128: {  	v17 =	vadd.f32 v28, v16;
	v16 =	vadd.f32 v22, v18;
	v13 =	vld [tilespmem:s21+$0xF0];
	s21 =	sadd.s32 $0x200, s21  }
0x129: {  	_ = 	snop  }
0x12a: {  	v8 =	vadd.f32 v8, v15;
	[tilespmem:$0xC200] =	vst v7;
	v6 =	vadd.f32 v6, v17  }
0x12b: {  	v59 =	vadd.f32 v10, v14;
	[tilespmem:$0xC210] =	vst v5;
	v4 =	vadd.f32 v4, v16  }
0x12c: {  	[tilespmem:$0xC220] =	vst v3;
	v60 =	vadd.f32 v9, v8;
	v0 =	vadd.f32 v0, v6  }
0x12d: {  	[tilespmem:$0xC230] =	vst v1;
	v61 =	vadd.f32 v12, v59;
	v2 =	vadd.f32 v2, v4  }
0x12e: {  	v62 =	vadd.f32 v11, v60;
	[tilespmem:$0xC240] =	vst v0  }
0x12f: {  	s19 =	sadd.s32 $0x1, s19;
	v63 =	vadd.f32 v13, v61;
	[tilespmem:$0xC250] =	vst v2  }
0x130: {  	p0 =	sne.s32 s19, s7;
	[tilespmem:$0xC260] =	vst v62  }
.Ltmp4:
0x131: {  	[tilespmem:$0xC270] =	vst v63;
	(pc) =	sbr.rel @p0 .LBB2_1-.Ltmp4, $4  }
0x132: {  	[hbm4b:s6+s3] =	stream.linear.scatter [tilespmem:s18], [sflag:$0x4], $0x80, $0x38;
	[tilespmem:$0xC280] =	vst v63  }
0x133: {  	_ =	swait.ge [sflag:s8], $0x80  }
0x134: {  	[sflag:s8] =	ssyncset.done $0x0  }
0x135: {  	[sflag:s8] =	ssyncadd.s32 $0xFFFFFF80  }
0x136: {  	_ =	sfence.sel $0x180000  }
0x137: {  	[bflag:$0x0] =	sbarrier.arrive $0xFFFF  }
0x138: {  	p0 =	sne.s32 s2, $0x0;
	_ =	strace $0x90000047  }
0x139: {  	s0 =	sadd.s32 @!p0 $0x100000, s0;
	[bflag:$0x2] =	sbarrier.arrive $0xFFFF  }
0x13a: {  	[sflag:s0] =	ssyncadd.tile.s32 @!p0 $0x1;
	_ =	shalt  }
.Lfunc_end2:
_tile_overlayer_lowered:
.L_overlay_start_2:
0x13b: {  	(tag) =	ssettag $0x2  }
0x13c: {  	s0 =	rddreg [dreg:$0x0];
	s2 =	stileid.u32  }
0x13d: {  	s1 =	rddreg [dreg:$0x1];
	p0 =	sne.s32 s2, $0x0  }
0x13e: {  	s3 =	rddreg [dreg:$0x2];
	[bflag:$0x3] =	sbarrier.arrive $0xFFFF;
	s2 =	simm.s32 @!p0 $0x1C04  }
0x13f: {  	[timem:s3], [sflag:s2] =	dma.local @!p0 [hbm:s0], s1  }
0x140: {  	s0 =	simm.s32 @!p0 $0x4  }
0x141: {  	_ =	swait.ge @!p0 [sflag:s0], s1  }
0x142: {  	s1 =	ssub.s32 @!p0 $0x0, s1;
	[sflag:s0] =	ssyncset.done @!p0 $0x0  }
0x143: {  	[sflag:s0] =	ssyncadd.s32 @!p0 s1  }
0x144: {  	[bflag:$0x3] =	sbarrier.arrive $0xFFFF  }
0x145: {  	_ =	shalt  }

</sc_bundles>
